<compile_context>
chip_gen: v7x
topology: tpu7x:2x2x1
jax: 0.10.2.dev20260603
libtpu: 0.0.44.dev20260713+nightly
codegen_flags: <defaults>
</compile_context>

<pallas_src>
import functools
import math

import jax
import jax.numpy as jnp
from jax import lax
from jax.experimental import pallas as pl
from jax.experimental.pallas import tpu as pltpu
from jax.experimental.pallas import tpu_sc as plsc

EMB = 1024
H = 16
HD = 64
E = 8
S = 512
T = 2048
TB = 256
PB = 256
MAXB = T // PB * (E // 2) + E
PMAX = MAXB * PB
NA = 2 * T
EMB2 = EMB // 2

_INV_SQRT2 = 1.0 / math.sqrt(2.0)


def _gelu(s):
    return 0.5 * s * (1.0 + lax.erf(s * _INV_SQRT2))


def _pack_row(y):
    bl = lax.bitcast_convert_type(y[:, :EMB2], jnp.int32)
    br = lax.bitcast_convert_type(y[:, EMB2:], jnp.int32)
    hi = (bl + 0x8000) & jnp.int32(-65536)
    lo = lax.shift_right_logical(br + 0x8000, 16)
    return hi | lo


def _unpack_row(w):
    yl = lax.bitcast_convert_type(w & jnp.int32(-65536), jnp.float32)
    yr = lax.bitcast_convert_type(lax.shift_left(w, 16), jnp.float32)
    return jnp.concatenate([yl, yr], axis=1)




def _router_proj_kernel(x_ref, wr_ref, wh_ref, q_ref, gts_ref, dest_ref,
                        meta_ref, aidx_ref):
    b = pl.program_id(0)
    xb = x_ref[...]
    logits = lax.dot_general(wr_ref[...], xb, (((1,), (1,)), ((), ())),
                             preferred_element_type=jnp.float32)
    e_iota = lax.broadcasted_iota(jnp.int32, (E, TB), 0)
    m1 = jnp.max(logits, axis=0, keepdims=True)
    a1 = jnp.min(jnp.where(logits == m1, e_iota, E), axis=0, keepdims=True)
    l2 = jnp.where(e_iota == a1, -jnp.inf, logits)
    m2 = jnp.max(l2, axis=0, keepdims=True)
    a2 = jnp.min(jnp.where(l2 == m2, e_iota, E), axis=0, keepdims=True)
    g1 = 0.5 * jax.nn.sigmoid(m1)
    g2 = 0.5 * jax.nn.sigmoid(m2)
    aidx_ref[:, :, pl.ds(b * TB, TB)] = (
        jnp.concatenate([a1, a2], axis=0).reshape(2, 1, TB))
    gts_ref[...] = jnp.concatenate([g1, g2], axis=0).reshape(2, 1, TB)
    q = lax.dot_general(xb, wh_ref[...], (((1,), (1,)), ((), ())),
                        preferred_element_type=jnp.float32)
    q_ref[...] = _pack_row(q)

    @pl.when(b == T // TB - 1)
    def _():
        _meta_body(aidx_ref, dest_ref, meta_ref)


def _router_proj(x2d, W_router, W_h):
    return pl.pallas_call(
        _router_proj_kernel,
        grid=(T // TB,),
        in_specs=[
            pl.BlockSpec((TB, EMB), lambda b: (b, 0)),
            pl.BlockSpec((E, EMB), lambda b: (0, 0)),
            pl.BlockSpec((EMB, EMB), lambda b: (0, 0)),
        ],
        out_specs=[
            pl.BlockSpec((TB, EMB2), lambda b: (b, 0)),
            pl.BlockSpec((2, 1, TB), lambda b: (0, 0, b)),
            pl.BlockSpec((2, 1, T), lambda b: (0, 0, 0)),
            pl.BlockSpec((2, 128), lambda b: (0, 0)),
        ],
        out_shape=[
            jax.ShapeDtypeStruct((T, EMB2), jnp.int32),
            jax.ShapeDtypeStruct((2, 1, T), jnp.float32),
            jax.ShapeDtypeStruct((2, 1, T), jnp.int32),
            jax.ShapeDtypeStruct((2, 128), jnp.int32),
        ],
        scratch_shapes=[pltpu.VMEM((2, 1, T), jnp.int32)],
    )(x2d, W_router, W_h)




def _meta_body(aidx_ref, dest_ref, meta_ref):
    a1 = aidx_ref[0]
    a2 = aidx_ref[1]
    e_iota = lax.broadcasted_iota(jnp.int32, (E, T), 0)
    occ1 = (e_iota == a1).astype(jnp.int32)
    occ2 = (e_iota == a2).astype(jnp.int32)
    occ = occ1 + occ2
    c = occ
    sh = 1
    while sh < T:
        c = c + jnp.concatenate([jnp.zeros((E, sh), jnp.int32), c[:, :T - sh]], axis=1)
        sh *= 2
    rank = c - occ
    count = c[:, T - 1:T]
    pc = ((count + PB - 1) // PB) * PB
    o = pc
    sh = 1
    while sh < E:
        o = o + jnp.concatenate([jnp.zeros((sh, 1), jnp.int32), o[:E - sh]], axis=0)
        sh *= 2
    excl = o - pc
    nb_e = pc // PB
    blk_off = excl // PB
    nb_total = jnp.sum(nb_e, axis=0, keepdims=True)
    e_col = lax.broadcasted_iota(jnp.int32, (E, 128), 0)
    b_iota = lax.broadcasted_iota(jnp.int32, (E, 128), 1)
    belong = (b_iota >= blk_off) & (b_iota < blk_off + nb_e)
    be = jnp.sum(jnp.where(belong, e_col, 0), axis=0, keepdims=True)
    last = nb_total - 1
    bl = (blk_off <= last) & (last < blk_off + nb_e)
    e_last = jnp.sum(jnp.where(bl, e_col[:, :1], 0), axis=0, keepdims=True)
    b_row = lax.broadcasted_iota(jnp.int32, (1, 128), 1)
    be_final = jnp.where(b_row < nb_total, be, e_last)
    meta_ref[...] = jnp.concatenate(
        [be_final, jnp.broadcast_to(nb_total, (1, 128))], axis=0)
    slot = excl + rank
    d1 = jnp.sum(occ1 * slot, axis=0, keepdims=True)
    d2 = jnp.sum(occ2 * slot, axis=0, keepdims=True)
    dest_ref[...] = jnp.concatenate([d1, d2], axis=0).reshape(2, 1, T)



_SC_CHUNK = 128


def _sc_mesh():
    return plsc.VectorSubcoreMesh(core_axis_name="c", subcore_axis_name="s")


def _sc_pack(dest_flat, tok_ids, qi):
    info = plsc.get_sparse_core_info()
    nw = info.num_cores * info.num_subcores
    per_w = NA // nw

    @functools.partial(
        pl.kernel,
        mesh=_sc_mesh(),
        out_type=jax.ShapeDtypeStruct((PMAX, EMB2), jnp.int32),
        scratch_types=[
            pltpu.VMEM((_SC_CHUNK,), jnp.int32),
            pltpu.VMEM((_SC_CHUNK,), jnp.int32),
            pltpu.VMEM((_SC_CHUNK, EMB2), jnp.int32),
            pltpu.SemaphoreType.DMA,
        ],
    )
    def k(dest_hbm, tok_hbm, q_hbm, pq_hbm, tidx_v, didx_v, rows_v, sem):
        wid = lax.axis_index("s") * info.num_cores + lax.axis_index("c")
        base = wid * per_w
        for c in range(per_w // _SC_CHUNK):
            off = base + c * _SC_CHUNK
            pltpu.sync_copy(tok_hbm.at[pl.ds(off, _SC_CHUNK)], tidx_v)
            pltpu.sync_copy(dest_hbm.at[pl.ds(off, _SC_CHUNK)], didx_v)
            pltpu.async_copy(q_hbm.at[tidx_v], rows_v, sem).wait()
            pltpu.async_copy(rows_v, pq_hbm.at[didx_v], sem).wait()

    return k(dest_flat, tok_ids, qi)


def _sc_unpack(dest_flat, hpi):
    info = plsc.get_sparse_core_info()
    nw = info.num_cores * info.num_subcores
    per_w = NA // nw

    @functools.partial(
        pl.kernel,
        mesh=_sc_mesh(),
        out_type=jax.ShapeDtypeStruct((NA, EMB2), jnp.int32),
        scratch_types=[
            pltpu.VMEM((_SC_CHUNK,), jnp.int32),
            pltpu.VMEM((_SC_CHUNK, EMB2), jnp.int32),
            pltpu.SemaphoreType.DMA,
        ],
    )
    def k(dest_hbm, hp_hbm, h01_hbm, didx_v, rows_v, sem):
        wid = lax.axis_index("s") * info.num_cores + lax.axis_index("c")
        base = wid * per_w
        for c in range(per_w // _SC_CHUNK):
            off = base + c * _SC_CHUNK
            pltpu.sync_copy(dest_hbm.at[pl.ds(off, _SC_CHUNK)], didx_v)
            pltpu.async_copy(hp_hbm.at[didx_v], rows_v, sem).wait()
            pltpu.sync_copy(rows_v, h01_hbm.at[pl.ds(off, _SC_CHUNK)])

    return k(dest_flat, hpi)




def _ffn_block_kernel(be_ref, nbt_ref, pq_ref, k_ref, v_ref, hp_ref):
    b = pl.program_id(0)

    @pl.when(b < nbt_ref[0])
    def _():
        qb = _unpack_row(pq_ref[...])
        hcols = []
        for h in range(H):
            qh = qb[:, h * HD:(h + 1) * HD]
            s = lax.dot_general(qh, k_ref[h, 0], (((1,), (1,)), ((), ())),
                                preferred_element_type=jnp.float32)
            a = s + s * lax.erf(s * _INV_SQRT2)
            hcols.append(lax.dot_general(a, v_ref[h, 0], (((1,), (0,)), ((), ())),
                                         preferred_element_type=jnp.float32))
        hp_ref[...] = _pack_row(jnp.concatenate(hcols, axis=1))


def _ffn_block(be_arr, nbt_arr, packed_q, k_ffwd, v_ffwd):
    grid_spec = pltpu.PrefetchScalarGridSpec(
        num_scalar_prefetch=2,
        grid=(MAXB,),
        in_specs=[
            pl.BlockSpec((PB, EMB2),
                         lambda b, be, nbt: (jnp.minimum(b, nbt[0] - 1), 0)),
            pl.BlockSpec((H, 1, S, HD), lambda b, be, nbt: (0, be[b], 0, 0)),
            pl.BlockSpec((H, 1, S, HD), lambda b, be, nbt: (0, be[b], 0, 0)),
        ],
        out_specs=pl.BlockSpec((PB, EMB2),
                               lambda b, be, nbt: (jnp.minimum(b, nbt[0] - 1), 0)),
    )
    return pl.pallas_call(
        _ffn_block_kernel,
        grid_spec=grid_spec,
        out_shape=jax.ShapeDtypeStruct((PMAX, EMB2), jnp.int32),
    )(be_arr, nbt_arr, packed_q, k_ffwd, v_ffwd)




def _combine_kernel(h0_ref, h1_ref, gts_ref, wg_ref, o_ref):
    g0 = gts_ref[0, 0, :].reshape(TB, 1)
    g1 = gts_ref[1, 0, :].reshape(TB, 1)
    mixed = g0 * _unpack_row(h0_ref[...]) + g1 * _unpack_row(h1_ref[...])
    o_ref[...] = lax.dot_general(mixed, wg_ref[...], (((1,), (1,)), ((), ())),
                                 preferred_element_type=jnp.float32)


def _combine(h01, gts, W_g):
    nblk = T // TB
    return pl.pallas_call(
        _combine_kernel,
        grid=(nblk,),
        in_specs=[
            pl.BlockSpec((TB, EMB2), lambda b: (b, 0)),
            pl.BlockSpec((TB, EMB2), lambda b: (b + nblk, 0)),
            pl.BlockSpec((2, 1, TB), lambda b: (0, 0, b)),
            pl.BlockSpec((EMB, EMB), lambda b: (0, 0)),
        ],
        out_specs=pl.BlockSpec((TB, EMB), lambda b: (b, 0)),
        out_shape=jax.ShapeDtypeStruct((T, EMB), jnp.float32),
    )(h01, h01, gts, W_g)


def kernel(x, W_router, W_h, W_g, k_ffwd, v_ffwd):
    B, Tn, D = x.shape
    x2d = x.reshape(Tn, D)
    qi, gts, dest, meta = _router_proj(x2d, W_router, W_h)
    dest_flat = dest.reshape(NA)
    tok_ids = jnp.arange(NA, dtype=jnp.int32) % Tn
    packed_q = _sc_pack(dest_flat, tok_ids, qi)
    be_arr = meta[0, :MAXB]
    nbt_arr = meta[1, :1]
    h_packed = _ffn_block(be_arr, nbt_arr, packed_q, k_ffwd, v_ffwd)
    h01 = _sc_unpack(dest_flat, h_packed)
    out = _combine(h01, gts, W_g)
    return out.reshape(B, Tn, D)

# --- scband reference (transcript-rebuilt; emitter-appended) ---
"""Pipeline reference for scband-smo-e-15040975470629 (READ-ONLY COPY).

The authoritative reference and input builder live on the scoring server;
editing this copy changes nothing except your own understanding.
"""

import math
import jax, jax.numpy as jnp
import numpy as np

EMB = 1024
H = 16
HD = 64
E = 8
K_ACT = 2
S = 512
NUM_BLOCK = 16


def setup_inputs(seed: int = 0) -> dict:
    key = jax.random.key(seed)
    ks = jax.random.split(key, 6)
    x = jax.random.normal(ks[0], (1, 2048, EMB), dtype=jnp.float32)
    W_router = 0.02 * jax.random.normal(ks[1], (E, EMB), dtype=jnp.float32)
    W_h = 0.02 * jax.random.normal(ks[2], (EMB, EMB), dtype=jnp.float32)
    W_g = (0.02 / math.sqrt(2.0 * NUM_BLOCK)) * jax.random.normal(ks[3], (EMB, EMB), dtype=jnp.float32)
    k_ffwd = 0.02 * jax.random.normal(ks[4], (H, E, S, HD), dtype=jnp.float32)
    v_ffwd = 0.02 * jax.random.normal(ks[5], (H, E, S, HD), dtype=jnp.float32)
    return {"x": x, "W_router": W_router, "W_h": W_h, "W_g": W_g, "k_ffwd": k_ffwd, "v_ffwd": v_ffwd}


def reference(x, W_router, W_h, W_g, k_ffwd, v_ffwd):
    # Faithful translation of SMoE.forward. The torch module implements the MoE FFN
    # via flex_attention with score_mod log1p(gelu(score)), scale=1.0, and the
    # 'reversal trick': out * exp(lse) = sum_j (1 + gelu(q.k_j)) v_j, followed by
    # subtracting sum_j v_j of the assigned expert, giving exactly
    #   h_e(token) = gelu(q @ K_e^T) @ V_e    (per head, per assigned expert)
    # We compute that identical math directly with dense per-expert matmuls and
    # gate-weighted indicator mixing (identical since top-k indices are distinct).
    B, T, D = x.shape
    Hn, En, Sn, hd = k_ffwd.shape
    router_logits = jnp.einsum('btd,ed->bte', x, W_router)
    vals, idx = jax.lax.top_k(router_logits, K_ACT)
    gates = jax.nn.sigmoid(vals)  # router_activ = sigmoid
    onehot = jax.nn.one_hot(idx, En, dtype=x.dtype)  # [B,T,k,E]
    w = jnp.einsum('btk,btke->bte', gates, onehot)   # per-expert mixing weight
    q = jnp.einsum('btd,od->bto', x, W_h).reshape(B, T, Hn, hd)
    mixed = jnp.zeros((B, T, D), dtype=x.dtype)
    for e in range(En):
        s = jnp.einsum('bthd,hsd->bths', q, k_ffwd[:, e])
        a = jax.nn.gelu(s, approximate=False)  # torch F.gelu default (erf)
        h = jnp.einsum('bths,hsd->bthd', a, v_ffwd[:, e]).reshape(B, T, D)
        mixed = mixed + w[:, :, e][..., None] * h
    return jnp.einsum('btd,od->bto', mixed, W_g)

if __name__ == "__main__":
    import jax
    _d = setup_inputs()
    print(jax.jit(kernel)(*tuple(_d.values())))

</pallas_src>

<mosaic_0001>
#map = affine_map<(d0, d1) -> (0)>
#map1 = affine_map<(d0, d1) -> (0, 0)>
module attributes {stable_mosaic.version = 14 : i64} {
  func.func @k(%arg0: i32, %arg1: i32, %arg2: memref<4096xi32, #tpu.memory_space<hbm>>, %arg3: memref<4096xi32, #tpu.memory_space<hbm>>, %arg4: memref<2048x512xi32, #tpu.memory_space<hbm>>, %arg5: memref<10240x512xi32, #tpu.memory_space<hbm>>, %arg6: memref<128xi32, #tpu.memory_space<vmem>>, %arg7: memref<128xi32, #tpu.memory_space<vmem>>, %arg8: memref<128x512xi32, #tpu.memory_space<vmem>>, %arg9: memref<!tpu.dma_semaphore, #tpu.memory_space<semaphore_mem>>) attributes {dimension_semantics = [#tpu.dimension_semantics<core_parallel>, #tpu.dimension_semantics<subcore_parallel>], iteration_bounds = array<i64: 2, 16>, scalar_prefetch = 0 : i64, scratch_operands = 4 : i64, tpu.core_type = #tpu.core_type<sc_vector_subcore>, window_params = [{transform_indices = #map}, {transform_indices = #map}, {transform_indices = #map1}, {transform_indices = #map1}]} {
    %mul3A = arith.constant 2 : i32
    %mul3A_0 = arith.muli %arg1, %mul3A : i32
    %add3A = arith.addi %mul3A_0, %arg0 : i32
    %mul3A_1 = arith.constant 128 : i32
    %mul3A_2 = arith.muli %add3A, %mul3A_1 : i32
    %add3A_3 = arith.constant 0 : i32
    %add3A_4 = arith.addi %mul3A_2, %add3A_3 : i32
    "tpu.region"() ({
      %run_scoped3A = tpu.sem_alloc : memref<!tpu.dma_semaphore, #tpu.memory_space<semaphore_mem>>
      %dma_start3A_15 = tpu.memref_slice %arg3[%add3A_4] : memref<4096xi32, #tpu.memory_space<hbm>> -> memref<128xi32, #tpu.memory_space<hbm>>
      %dma_start3A_16 = tpu.memref_slice %arg3[%add3A_4] : memref<4096xi32, #tpu.memory_space<hbm>> -> memref<128xi32, #tpu.memory_space<hbm>>
      tpu.enqueue_dma source(%dma_start3A_16 : memref<128xi32, #tpu.memory_space<hbm>>) target(%arg6 : memref<128xi32, #tpu.memory_space<vmem>>) target_semaphore(%run_scoped3A : memref<!tpu.dma_semaphore, #tpu.memory_space<semaphore_mem>>)
      %dma_wait3A_17 = tpu.memref_slice %arg3[%add3A_4] : memref<4096xi32, #tpu.memory_space<hbm>> -> memref<128xi32, #tpu.memory_space<hbm>>
      %dma_wait3A_18 = tpu.memref_slice %arg3[%add3A_4] : memref<4096xi32, #tpu.memory_space<hbm>> -> memref<128xi32, #tpu.memory_space<hbm>>
      tpu.wait_dma2 semaphore(%run_scoped3A : memref<!tpu.dma_semaphore, #tpu.memory_space<semaphore_mem>>) src(%dma_wait3A_18 : memref<128xi32, #tpu.memory_space<hbm>>) dst(%arg6 : memref<128xi32, #tpu.memory_space<vmem>>)
      tpu.yield
    }) : () -> ()
    "tpu.region"() ({
      %run_scoped3A = tpu.sem_alloc : memref<!tpu.dma_semaphore, #tpu.memory_space<semaphore_mem>>
      %dma_start3A_15 = tpu.memref_slice %arg2[%add3A_4] : memref<4096xi32, #tpu.memory_space<hbm>> -> memref<128xi32, #tpu.memory_space<hbm>>
      %dma_start3A_16 = tpu.memref_slice %arg2[%add3A_4] : memref<4096xi32, #tpu.memory_space<hbm>> -> memref<128xi32, #tpu.memory_space<hbm>>
      tpu.enqueue_dma source(%dma_start3A_16 : memref<128xi32, #tpu.memory_space<hbm>>) target(%arg7 : memref<128xi32, #tpu.memory_space<vmem>>) target_semaphore(%run_scoped3A : memref<!tpu.dma_semaphore, #tpu.memory_space<semaphore_mem>>)
      %dma_wait3A_17 = tpu.memref_slice %arg2[%add3A_4] : memref<4096xi32, #tpu.memory_space<hbm>> -> memref<128xi32, #tpu.memory_space<hbm>>
      %dma_wait3A_18 = tpu.memref_slice %arg2[%add3A_4] : memref<4096xi32, #tpu.memory_space<hbm>> -> memref<128xi32, #tpu.memory_space<hbm>>
      tpu.wait_dma2 semaphore(%run_scoped3A : memref<!tpu.dma_semaphore, #tpu.memory_space<semaphore_mem>>) src(%dma_wait3A_18 : memref<128xi32, #tpu.memory_space<hbm>>) dst(%arg7 : memref<128xi32, #tpu.memory_space<vmem>>)
      tpu.yield
    }) : () -> ()
    %dma_start3A = arith.constant 0 : i32
    %dma_start3A_5 = arith.constant 0 : i32
    %dma_start3A_6 = tpu.memref_slice %arg4[%dma_start3A, %dma_start3A_5] : memref<2048x512xi32, #tpu.memory_space<hbm>> -> memref<2048x512xi32, #tpu.memory_space<hbm>>
    tpu.enqueue_indirect_dma source(%dma_start3A_6 : memref<2048x512xi32, #tpu.memory_space<hbm>>) target(%arg8 : memref<128x512xi32, #tpu.memory_space<vmem>>) offsets(%arg6 : memref<128xi32, #tpu.memory_space<vmem>>) semaphore(%arg9 : memref<!tpu.dma_semaphore, #tpu.memory_space<semaphore_mem>>)
    %dma_wait3A = arith.constant 0 : i32
    %dma_wait3A_7 = arith.constant 0 : i32
    %dma_wait3A_8 = tpu.memref_slice %arg4[%dma_wait3A, %dma_wait3A_7] : memref<2048x512xi32, #tpu.memory_space<hbm>> -> memref<2048x512xi32, #tpu.memory_space<hbm>>
    tpu.wait_indirect_dma semaphore(%arg9 : memref<!tpu.dma_semaphore, #tpu.memory_space<semaphore_mem>>) src(%dma_wait3A_8 : memref<2048x512xi32, #tpu.memory_space<hbm>>) dst(%arg8 : memref<128x512xi32, #tpu.memory_space<vmem>>)
    %dma_start3A_9 = arith.constant 0 : i32
    %dma_start3A_10 = arith.constant 0 : i32
    %dma_start3A_11 = tpu.memref_slice %arg5[%dma_start3A_9, %dma_start3A_10] : memref<10240x512xi32, #tpu.memory_space<hbm>> -> memref<10240x512xi32, #tpu.memory_space<hbm>>
    tpu.enqueue_indirect_dma source(%arg8 : memref<128x512xi32, #tpu.memory_space<vmem>>) target(%dma_start3A_11 : memref<10240x512xi32, #tpu.memory_space<hbm>>) offsets(%arg7 : memref<128xi32, #tpu.memory_space<vmem>>) semaphore(%arg9 : memref<!tpu.dma_semaphore, #tpu.memory_space<semaphore_mem>>)
    %dma_wait3A_12 = arith.constant 0 : i32
    %dma_wait3A_13 = arith.constant 0 : i32
    %dma_wait3A_14 = tpu.memref_slice %arg5[%dma_wait3A_12, %dma_wait3A_13] : memref<10240x512xi32, #tpu.memory_space<hbm>> -> memref<10240x512xi32, #tpu.memory_space<hbm>>
    tpu.wait_indirect_dma semaphore(%arg9 : memref<!tpu.dma_semaphore, #tpu.memory_space<semaphore_mem>>) src(%arg8 : memref<128x512xi32, #tpu.memory_space<vmem>>) dst(%dma_wait3A_14 : memref<10240x512xi32, #tpu.memory_space<hbm>>)
    return
  }
}

#map = affine_map<(d0, d1) -> (0)>
#map1 = affine_map<(d0, d1) -> (0, 0)>
module attributes {stable_mosaic.version = 14 : i64} {
  func.func @k(%arg0: i32, %arg1: i32, %arg2: memref<4096xi32, #tpu.memory_space<hbm>>, %arg3: memref<10240x512xi32, #tpu.memory_space<hbm>>, %arg4: memref<4096x512xi32, #tpu.memory_space<hbm>>, %arg5: memref<128xi32, #tpu.memory_space<vmem>>, %arg6: memref<128x512xi32, #tpu.memory_space<vmem>>, %arg7: memref<!tpu.dma_semaphore, #tpu.memory_space<semaphore_mem>>) attributes {dimension_semantics = [#tpu.dimension_semantics<core_parallel>, #tpu.dimension_semantics<subcore_parallel>], iteration_bounds = array<i64: 2, 16>, scalar_prefetch = 0 : i64, scratch_operands = 3 : i64, tpu.core_type = #tpu.core_type<sc_vector_subcore>, window_params = [{transform_indices = #map}, {transform_indices = #map1}, {transform_indices = #map1}]} {
    %mul3A = arith.constant 2 : i32
    %mul3A_0 = arith.muli %arg1, %mul3A : i32
    %add3A = arith.addi %mul3A_0, %arg0 : i32
    %mul3A_1 = arith.constant 128 : i32
    %mul3A_2 = arith.muli %add3A, %mul3A_1 : i32
    %add3A_3 = arith.constant 0 : i32
    %add3A_4 = arith.addi %mul3A_2, %add3A_3 : i32
    "tpu.region"() ({
      %run_scoped3A = tpu.sem_alloc : memref<!tpu.dma_semaphore, #tpu.memory_space<semaphore_mem>>
      %dma_start3A_9 = tpu.memref_slice %arg2[%add3A_4] : memref<4096xi32, #tpu.memory_space<hbm>> -> memref<128xi32, #tpu.memory_space<hbm>>
      %dma_start3A_10 = tpu.memref_slice %arg2[%add3A_4] : memref<4096xi32, #tpu.memory_space<hbm>> -> memref<128xi32, #tpu.memory_space<hbm>>
      tpu.enqueue_dma source(%dma_start3A_10 : memref<128xi32, #tpu.memory_space<hbm>>) target(%arg5 : memref<128xi32, #tpu.memory_space<vmem>>) target_semaphore(%run_scoped3A : memref<!tpu.dma_semaphore, #tpu.memory_space<semaphore_mem>>)
      %dma_wait3A_11 = tpu.memref_slice %arg2[%add3A_4] : memref<4096xi32, #tpu.memory_space<hbm>> -> memref<128xi32, #tpu.memory_space<hbm>>
      %dma_wait3A_12 = tpu.memref_slice %arg2[%add3A_4] : memref<4096xi32, #tpu.memory_space<hbm>> -> memref<128xi32, #tpu.memory_space<hbm>>
      tpu.wait_dma2 semaphore(%run_scoped3A : memref<!tpu.dma_semaphore, #tpu.memory_space<semaphore_mem>>) src(%dma_wait3A_12 : memref<128xi32, #tpu.memory_space<hbm>>) dst(%arg5 : memref<128xi32, #tpu.memory_space<vmem>>)
      tpu.yield
    }) : () -> ()
    %dma_start3A = arith.constant 0 : i32
    %dma_start3A_5 = arith.constant 0 : i32
    %dma_start3A_6 = tpu.memref_slice %arg3[%dma_start3A, %dma_start3A_5] : memref<10240x512xi32, #tpu.memory_space<hbm>> -> memref<10240x512xi32, #tpu.memory_space<hbm>>
    tpu.enqueue_indirect_dma source(%dma_start3A_6 : memref<10240x512xi32, #tpu.memory_space<hbm>>) target(%arg6 : memref<128x512xi32, #tpu.memory_space<vmem>>) offsets(%arg5 : memref<128xi32, #tpu.memory_space<vmem>>) semaphore(%arg7 : memref<!tpu.dma_semaphore, #tpu.memory_space<semaphore_mem>>)
    %dma_wait3A = arith.constant 0 : i32
    %dma_wait3A_7 = arith.constant 0 : i32
    %dma_wait3A_8 = tpu.memref_slice %arg3[%dma_wait3A, %dma_wait3A_7] : memref<10240x512xi32, #tpu.memory_space<hbm>> -> memref<10240x512xi32, #tpu.memory_space<hbm>>
    tpu.wait_indirect_dma semaphore(%arg7 : memref<!tpu.dma_semaphore, #tpu.memory_space<semaphore_mem>>) src(%dma_wait3A_8 : memref<10240x512xi32, #tpu.memory_space<hbm>>) dst(%arg6 : memref<128x512xi32, #tpu.memory_space<vmem>>)
    "tpu.region"() ({
      %run_scoped3A = tpu.sem_alloc : memref<!tpu.dma_semaphore, #tpu.memory_space<semaphore_mem>>
      %dma_start3A_9 = arith.constant 0 : i32
      %dma_start3A_10 = tpu.memref_slice %arg4[%add3A_4, %dma_start3A_9] : memref<4096x512xi32, #tpu.memory_space<hbm>> -> memref<128x512xi32, #tpu.memory_space<hbm>>
      %dma_start3A_11 = arith.constant 0 : i32
      %dma_start3A_12 = tpu.memref_slice %arg4[%add3A_4, %dma_start3A_11] : memref<4096x512xi32, #tpu.memory_space<hbm>> -> memref<128x512xi32, #tpu.memory_space<hbm>>
      tpu.enqueue_dma source(%arg6 : memref<128x512xi32, #tpu.memory_space<vmem>>) target(%dma_start3A_12 : memref<128x512xi32, #tpu.memory_space<hbm>>) target_semaphore(%run_scoped3A : memref<!tpu.dma_semaphore, #tpu.memory_space<semaphore_mem>>)
      %dma_wait3A_13 = arith.constant 0 : i32
      %dma_wait3A_14 = tpu.memref_slice %arg4[%add3A_4, %dma_wait3A_13] : memref<4096x512xi32, #tpu.memory_space<hbm>> -> memref<128x512xi32, #tpu.memory_space<hbm>>
      %dma_wait3A_15 = arith.constant 0 : i32
      %dma_wait3A_16 = tpu.memref_slice %arg4[%add3A_4, %dma_wait3A_15] : memref<4096x512xi32, #tpu.memory_space<hbm>> -> memref<128x512xi32, #tpu.memory_space<hbm>>
      tpu.wait_dma2 semaphore(%run_scoped3A : memref<!tpu.dma_semaphore, #tpu.memory_space<semaphore_mem>>) src(%arg6 : memref<128x512xi32, #tpu.memory_space<vmem>>) dst(%dma_wait3A_16 : memref<128x512xi32, #tpu.memory_space<hbm>>)
      tpu.yield
    }) : () -> ()
    return
  }
}

module attributes {stable_mosaic.version = 14 : i64} {
  func.func @_router_proj_kernel(%arg0: i32, %arg1: memref<256x1024xf32, #tpu.memory_space<vmem>>, %arg2: memref<8x1024xf32, #tpu.memory_space<vmem>>, %arg3: memref<1024x1024xf32, #tpu.memory_space<vmem>>, %arg4: memref<256x512xi32, #tpu.memory_space<vmem>>, %arg5: memref<2x1x256xf32, #tpu.memory_space<vmem>>, %arg6: memref<2x1x2048xi32, #tpu.memory_space<vmem>>, %arg7: memref<2x128xi32, #tpu.memory_space<vmem>>, %arg8: memref<2x1x2048xi32, #tpu.memory_space<vmem>>) attributes {dimension_semantics = [#tpu.dimension_semantics<arbitrary>], iteration_bounds = array<i64: 8>, scalar_prefetch = 0 : i64, scratch_operands = 1 : i64, tpu.core_type = #tpu.core_type<tc>, window_params = [{transform_indices = @transform_0, window_bounds = array<i64: 256, 1024>}, {pipeline_mode = #tpu.pipeline_mode<synchronous>, transform_indices = @transform_1, window_bounds = array<i64: 8, 1024>}, {pipeline_mode = #tpu.pipeline_mode<synchronous>, transform_indices = @transform_2, window_bounds = array<i64: 1024, 1024>}, {transform_indices = @transform_3, window_bounds = array<i64: 256, 512>}, {transform_indices = @transform_4, window_bounds = array<i64: 2, 1, 256>}, {pipeline_mode = #tpu.pipeline_mode<synchronous>, transform_indices = @transform_5, window_bounds = array<i64: 2, 1, 2048>}, {pipeline_mode = #tpu.pipeline_mode<synchronous>, transform_indices = @transform_6, window_bounds = array<i64: 2, 128>}]} {
    %get3A = arith.constant 0 : index
    %get3A_0 = arith.constant 0 : index
    %get3A_1 = vector.load %arg1[%get3A, %get3A_0] : memref<256x1024xf32, #tpu.memory_space<vmem>>, vector<256x1024xf32>
    %get3A_2 = arith.constant 0 : index
    %get3A_3 = arith.constant 0 : index
    %get3A_4 = vector.load %arg2[%get3A_2, %get3A_3] : memref<8x1024xf32, #tpu.memory_space<vmem>>, vector<8x1024xf32>
    %dot_general3A = arith.constant dense<0.000000e+00> : vector<8x256xf32>
    %dot_general3A_5 = tpu.matmul %get3A_4, %get3A_1, %dot_general3A {dimension_numbers = #tpu.dot_dimension_numbers<[1], [1], [0], [0], [0, 0, 1, 0], [], []>, transpose_lhs_hint = false} : vector<8x1024xf32>, vector<256x1024xf32>, vector<8x256xf32> -> vector<8x256xf32>
    %iota3A = tpu.iota {dimensions = array<i32: 0>} : vector<8x256xi32>
    %reduce_max3A = arith.constant dense<0xFF800000> : vector<256xf32>
    %reduce_max3A_6 = vector.multi_reduction <maximumf>, %dot_general3A_5, %reduce_max3A [0] : vector<8x256xf32> to vector<256xf32>
    %broadcast_in_dim3A = vector.shape_cast %reduce_max3A_6 : vector<256xf32> to vector<1x256xf32>
    %eq3A = vector.broadcast %broadcast_in_dim3A : vector<1x256xf32> to vector<8x256xf32>
    %eq3A_7 = arith.cmpf oeq, %dot_general3A_5, %eq3A : vector<8x256xf32>
    %jit3A = arith.constant 8 : i32
    %broadcast_in_dim3A_8 = vector.broadcast %jit3A : i32 to vector<8x256xi32>
    %select_n3A = arith.select %eq3A_7, %iota3A, %broadcast_in_dim3A_8 : vector<8x256xi1>, vector<8x256xi32>
    %reduce_min3A = arith.constant dense<2147483647> : vector<256xi32>
    %reduce_min3A_9 = vector.multi_reduction <minsi>, %select_n3A, %reduce_min3A [0] : vector<8x256xi32> to vector<256xi32>
    %broadcast_in_dim3A_10 = vector.shape_cast %reduce_min3A_9 : vector<256xi32> to vector<1x256xi32>
    %eq3A_11 = vector.broadcast %broadcast_in_dim3A_10 : vector<1x256xi32> to vector<8x256xi32>
    %eq3A_12 = arith.cmpi eq, %iota3A, %eq3A_11 : vector<8x256xi32>
    %jit3A_13 = arith.constant 0xFF800000 : f32
    %broadcast_in_dim3A_14 = vector.broadcast %jit3A_13 : f32 to vector<8x256xf32>
    %select_n3A_15 = arith.select %eq3A_12, %broadcast_in_dim3A_14, %dot_general3A_5 : vector<8x256xi1>, vector<8x256xf32>
    %reduce_max3A_16 = arith.constant dense<0xFF800000> : vector<256xf32>
    %reduce_max3A_17 = vector.multi_reduction <maximumf>, %select_n3A_15, %reduce_max3A_16 [0] : vector<8x256xf32> to vector<256xf32>
    %broadcast_in_dim3A_18 = vector.shape_cast %reduce_max3A_17 : vector<256xf32> to vector<1x256xf32>
    %eq3A_19 = vector.broadcast %broadcast_in_dim3A_18 : vector<1x256xf32> to vector<8x256xf32>
    %eq3A_20 = arith.cmpf oeq, %select_n3A_15, %eq3A_19 : vector<8x256xf32>
    %jit3A_21 = arith.constant 8 : i32
    %broadcast_in_dim3A_22 = vector.broadcast %jit3A_21 : i32 to vector<8x256xi32>
    %select_n3A_23 = arith.select %eq3A_20, %iota3A, %broadcast_in_dim3A_22 : vector<8x256xi1>, vector<8x256xi32>
    %reduce_min3A_24 = arith.constant dense<2147483647> : vector<256xi32>
    %reduce_min3A_25 = vector.multi_reduction <minsi>, %select_n3A_23, %reduce_min3A_24 [0] : vector<8x256xi32> to vector<256xi32>
    %broadcast_in_dim3A_26 = vector.shape_cast %reduce_min3A_25 : vector<256xi32> to vector<1x256xi32>
    %logistic3A = arith.negf %broadcast_in_dim3A : vector<1x256xf32>
    %logistic3A_27 = math.exp %logistic3A : vector<1x256xf32>
    %logistic3A_28 = arith.constant 1.000000e+00 : f32
    %logistic3A_29 = vector.broadcast %logistic3A_28 : f32 to vector<1x256xf32>
    %logistic3A_30 = arith.addf %logistic3A_29, %logistic3A_27 : vector<1x256xf32>
    %logistic3A_31 = arith.divf %logistic3A_29, %logistic3A_30 : vector<1x256xf32>
    %mul3A = arith.constant 5.000000e-01 : f32
    %mul3A_32 = vector.broadcast %mul3A : f32 to vector<1x256xf32>
    %mul3A_33 = arith.mulf %mul3A_32, %logistic3A_31 : vector<1x256xf32>
    %logistic3A_34 = arith.negf %broadcast_in_dim3A_18 : vector<1x256xf32>
    %logistic3A_35 = math.exp %logistic3A_34 : vector<1x256xf32>
    %logistic3A_36 = arith.constant 1.000000e+00 : f32
    %logistic3A_37 = vector.broadcast %logistic3A_36 : f32 to vector<1x256xf32>
    %logistic3A_38 = arith.addf %logistic3A_37, %logistic3A_35 : vector<1x256xf32>
    %logistic3A_39 = arith.divf %logistic3A_37, %logistic3A_38 : vector<1x256xf32>
    %mul3A_40 = arith.constant 5.000000e-01 : f32
    %mul3A_41 = vector.broadcast %mul3A_40 : f32 to vector<1x256xf32>
    %mul3A_42 = arith.mulf %mul3A_41, %logistic3A_39 : vector<1x256xf32>
    %concatenate3A = tpu.concatenate %broadcast_in_dim3A_10, %broadcast_in_dim3A_26 in 0 : vector<1x256xi32>, vector<1x256xi32> -> vector<2x256xi32>
    %reshape3A = vector.shape_cast %concatenate3A : vector<2x256xi32> to vector<2x1x256xi32>
    %mul3A_43 = arith.constant 256 : i32
    %mul3A_44 = arith.muli %arg0, %mul3A_43 : i32
    %swap3A = arith.constant 0 : index
    %swap3A_45 = arith.constant 0 : index
    %swap3A_46 = arith.index_cast %mul3A_44 : i32 to index
    %swap3A_47 = vector.load %arg8[%swap3A, %swap3A_45, %swap3A_46] : memref<2x1x2048xi32, #tpu.memory_space<vmem>>, vector<2x1x256xi32>
    tpu.vector_store %arg8[%swap3A, %swap3A_45, %swap3A_46], %reshape3A {strides = array<i32>} : memref<2x1x2048xi32, #tpu.memory_space<vmem>>, vector<2x1x256xi32>,
    %concatenate3A_48 = tpu.concatenate %mul3A_33, %mul3A_42 in 0 : vector<1x256xf32>, vector<1x256xf32> -> vector<2x256xf32>
    %reshape3A_49 = vector.shape_cast %concatenate3A_48 : vector<2x256xf32> to vector<2x1x256xf32>
    %swap3A_50 = arith.constant 0 : index
    %swap3A_51 = arith.constant 0 : index
    %swap3A_52 = arith.constant 0 : index
    %swap3A_53 = vector.load %arg5[%swap3A_50, %swap3A_51, %swap3A_52] : memref<2x1x256xf32, #tpu.memory_space<vmem>>, vector<2x1x256xf32>
    tpu.vector_store %arg5[%swap3A_50, %swap3A_51, %swap3A_52], %reshape3A_49 {strides = array<i32>} : memref<2x1x256xf32, #tpu.memory_space<vmem>>, vector<2x1x256xf32>,
    %get3A_54 = arith.constant 0 : index
    %get3A_55 = arith.constant 0 : index
    %get3A_56 = vector.load %arg3[%get3A_54, %get3A_55] : memref<1024x1024xf32, #tpu.memory_space<vmem>>, vector<1024x1024xf32>
    %dot_general3A_57 = arith.constant dense<0.000000e+00> : vector<256x1024xf32>
    %dot_general3A_58 = tpu.matmul %get3A_1, %get3A_56, %dot_general3A_57 {dimension_numbers = #tpu.dot_dimension_numbers<[1], [1], [0], [0], [0, 0, 1, 0], [], []>, transpose_lhs_hint = false} : vector<256x1024xf32>, vector<1024x1024xf32>, vector<256x1024xf32> -> vector<256x1024xf32>
    %slice3A = vector.extract_strided_slice %dot_general3A_58 {offsets = [0, 0], sizes = [256, 512], strides = [1, 1]} : vector<256x1024xf32> to vector<256x512xf32>
    %bitcast_convert_type3A = tpu.bitcast %slice3A : vector<256x512xf32> -> vector<256x512xi32>
    %slice3A_59 = vector.extract_strided_slice %dot_general3A_58 {offsets = [0, 512], sizes = [256, 512], strides = [1, 1]} : vector<256x1024xf32> to vector<256x512xf32>
    %bitcast_convert_type3A_60 = tpu.bitcast %slice3A_59 : vector<256x512xf32> -> vector<256x512xi32>
    %add3A = arith.constant 32768 : i32
    %add3A_61 = vector.broadcast %add3A : i32 to vector<256x512xi32>
    %add3A_62 = arith.addi %bitcast_convert_type3A, %add3A_61 : vector<256x512xi32>
    %and3A = arith.constant -65536 : i32
    %and3A_63 = vector.broadcast %and3A : i32 to vector<256x512xi32>
    %and3A_64 = arith.andi %add3A_62, %and3A_63 : vector<256x512xi32>
    %add3A_65 = arith.constant 32768 : i32
    %add3A_66 = vector.broadcast %add3A_65 : i32 to vector<256x512xi32>
    %add3A_67 = arith.addi %bitcast_convert_type3A_60, %add3A_66 : vector<256x512xi32>
    %shift_right_logical3A = arith.constant 16 : i32
    %shift_right_logical3A_68 = vector.broadcast %shift_right_logical3A : i32 to vector<256x512xi32>
    %shift_right_logical3A_69 = arith.shrui %add3A_67, %shift_right_logical3A_68 : vector<256x512xi32>
    %or3A = arith.ori %and3A_64, %shift_right_logical3A_69 : vector<256x512xi32>
    %swap3A_70 = arith.constant 0 : index
    %swap3A_71 = arith.constant 0 : index
    %swap3A_72 = vector.load %arg4[%swap3A_70, %swap3A_71] : memref<256x512xi32, #tpu.memory_space<vmem>>, vector<256x512xi32>
    tpu.vector_store %arg4[%swap3A_70, %swap3A_71], %or3A {strides = array<i32>} : memref<256x512xi32, #tpu.memory_space<vmem>>, vector<256x512xi32>,
    %eq3A_73 = arith.constant 7 : i32
    %eq3A_74 = arith.cmpi eq, %arg0, %eq3A_73 : i32
    %convert_element_type3A = arith.extui %eq3A_74 : i1 to i32
    %cond3A = arith.constant 0 : i32
    %cond3A_75 = arith.cmpi ne, %convert_element_type3A, %cond3A : i32
    scf.if %cond3A_75 {
      %get3A_76 = arith.constant 0 : index
      %get3A_77 = arith.constant 0 : index
      %get3A_78 = arith.constant 0 : index
      %get3A_79 = vector.load %arg8[%get3A_76, %get3A_77, %get3A_78] : memref<2x1x2048xi32, #tpu.memory_space<vmem>>, vector<1x1x2048xi32>
      %get3A_80 = vector.shape_cast %get3A_79 : vector<1x1x2048xi32> to vector<1x2048xi32>
      %get3A_81 = arith.constant 1 : index
      %get3A_82 = arith.constant 0 : index
      %get3A_83 = arith.constant 0 : index
      %get3A_84 = vector.load %arg8[%get3A_81, %get3A_82, %get3A_83] : memref<2x1x2048xi32, #tpu.memory_space<vmem>>, vector<1x1x2048xi32>
      %get3A_85 = vector.shape_cast %get3A_84 : vector<1x1x2048xi32> to vector<1x2048xi32>
      %iota3A_86 = tpu.iota {dimensions = array<i32: 0>} : vector<8x2048xi32>
      %eq3A_87 = vector.broadcast %get3A_80 : vector<1x2048xi32> to vector<8x2048xi32>
      %eq3A_88 = arith.cmpi eq, %iota3A_86, %eq3A_87 : vector<8x2048xi32>
      %convert_element_type3A_89 = arith.extui %eq3A_88 : vector<8x2048xi1> to vector<8x2048xi32>
      %eq3A_90 = vector.broadcast %get3A_85 : vector<1x2048xi32> to vector<8x2048xi32>
      %eq3A_91 = arith.cmpi eq, %iota3A_86, %eq3A_90 : vector<8x2048xi32>
      %convert_element_type3A_92 = arith.extui %eq3A_91 : vector<8x2048xi1> to vector<8x2048xi32>
      %add3A_93 = arith.addi %convert_element_type3A_89, %convert_element_type3A_92 : vector<8x2048xi32>
      %broadcast_in_dim3A_94 = arith.constant 0 : i32
      %broadcast_in_dim3A_95 = vector.broadcast %broadcast_in_dim3A_94 : i32 to vector<8x1xi32>
      %slice3A_96 = vector.extract_strided_slice %add3A_93 {offsets = [0, 0], sizes = [8, 2047], strides = [1, 1]} : vector<8x2048xi32> to vector<8x2047xi32>
      %concatenate3A_97 = tpu.concatenate %broadcast_in_dim3A_95, %slice3A_96 in 1 : vector<8x1xi32>, vector<8x2047xi32> -> vector<8x2048xi32>
      %add3A_98 = arith.addi %add3A_93, %concatenate3A_97 : vector<8x2048xi32>
      %broadcast_in_dim3A_99 = arith.constant 0 : i32
      %broadcast_in_dim3A_100 = vector.broadcast %broadcast_in_dim3A_99 : i32 to vector<8x2xi32>
      %slice3A_101 = vector.extract_strided_slice %add3A_98 {offsets = [0, 0], sizes = [8, 2046], strides = [1, 1]} : vector<8x2048xi32> to vector<8x2046xi32>
      %concatenate3A_102 = tpu.concatenate %broadcast_in_dim3A_100, %slice3A_101 in 1 : vector<8x2xi32>, vector<8x2046xi32> -> vector<8x2048xi32>
      %add3A_103 = arith.addi %add3A_98, %concatenate3A_102 : vector<8x2048xi32>
      %broadcast_in_dim3A_104 = arith.constant 0 : i32
      %broadcast_in_dim3A_105 = vector.broadcast %broadcast_in_dim3A_104 : i32 to vector<8x4xi32>
      %slice3A_106 = vector.extract_strided_slice %add3A_103 {offsets = [0, 0], sizes = [8, 2044], strides = [1, 1]} : vector<8x2048xi32> to vector<8x2044xi32>
      %concatenate3A_107 = tpu.concatenate %broadcast_in_dim3A_105, %slice3A_106 in 1 : vector<8x4xi32>, vector<8x2044xi32> -> vector<8x2048xi32>
      %add3A_108 = arith.addi %add3A_103, %concatenate3A_107 : vector<8x2048xi32>
      %broadcast_in_dim3A_109 = arith.constant 0 : i32
      %broadcast_in_dim3A_110 = vector.broadcast %broadcast_in_dim3A_109 : i32 to vector<8x8xi32>
      %slice3A_111 = vector.extract_strided_slice %add3A_108 {offsets = [0, 0], sizes = [8, 2040], strides = [1, 1]} : vector<8x2048xi32> to vector<8x2040xi32>
      %concatenate3A_112 = tpu.concatenate %broadcast_in_dim3A_110, %slice3A_111 in 1 : vector<8x8xi32>, vector<8x2040xi32> -> vector<8x2048xi32>
      %add3A_113 = arith.addi %add3A_108, %concatenate3A_112 : vector<8x2048xi32>
      %broadcast_in_dim3A_114 = arith.constant 0 : i32
      %broadcast_in_dim3A_115 = vector.broadcast %broadcast_in_dim3A_114 : i32 to vector<8x16xi32>
      %slice3A_116 = vector.extract_strided_slice %add3A_113 {offsets = [0, 0], sizes = [8, 2032], strides = [1, 1]} : vector<8x2048xi32> to vector<8x2032xi32>
      %concatenate3A_117 = tpu.concatenate %broadcast_in_dim3A_115, %slice3A_116 in 1 : vector<8x16xi32>, vector<8x2032xi32> -> vector<8x2048xi32>
      %add3A_118 = arith.addi %add3A_113, %concatenate3A_117 : vector<8x2048xi32>
      %broadcast_in_dim3A_119 = arith.constant 0 : i32
      %broadcast_in_dim3A_120 = vector.broadcast %broadcast_in_dim3A_119 : i32 to vector<8x32xi32>
      %slice3A_121 = vector.extract_strided_slice %add3A_118 {offsets = [0, 0], sizes = [8, 2016], strides = [1, 1]} : vector<8x2048xi32> to vector<8x2016xi32>
      %concatenate3A_122 = tpu.concatenate %broadcast_in_dim3A_120, %slice3A_121 in 1 : vector<8x32xi32>, vector<8x2016xi32> -> vector<8x2048xi32>
      %add3A_123 = arith.addi %add3A_118, %concatenate3A_122 : vector<8x2048xi32>
      %broadcast_in_dim3A_124 = arith.constant 0 : i32
      %broadcast_in_dim3A_125 = vector.broadcast %broadcast_in_dim3A_124 : i32 to vector<8x64xi32>
      %slice3A_126 = vector.extract_strided_slice %add3A_123 {offsets = [0, 0], sizes = [8, 1984], strides = [1, 1]} : vector<8x2048xi32> to vector<8x1984xi32>
      %concatenate3A_127 = tpu.concatenate %broadcast_in_dim3A_125, %slice3A_126 in 1 : vector<8x64xi32>, vector<8x1984xi32> -> vector<8x2048xi32>
      %add3A_128 = arith.addi %add3A_123, %concatenate3A_127 : vector<8x2048xi32>
      %broadcast_in_dim3A_129 = arith.constant 0 : i32
      %broadcast_in_dim3A_130 = vector.broadcast %broadcast_in_dim3A_129 : i32 to vector<8x128xi32>
      %slice3A_131 = vector.extract_strided_slice %add3A_128 {offsets = [0, 0], sizes = [8, 1920], strides = [1, 1]} : vector<8x2048xi32> to vector<8x1920xi32>
      %concatenate3A_132 = tpu.concatenate %broadcast_in_dim3A_130, %slice3A_131 in 1 : vector<8x128xi32>, vector<8x1920xi32> -> vector<8x2048xi32>
      %add3A_133 = arith.addi %add3A_128, %concatenate3A_132 : vector<8x2048xi32>
      %broadcast_in_dim3A_134 = arith.constant 0 : i32
      %broadcast_in_dim3A_135 = vector.broadcast %broadcast_in_dim3A_134 : i32 to vector<8x256xi32>
      %slice3A_136 = vector.extract_strided_slice %add3A_133 {offsets = [0, 0], sizes = [8, 1792], strides = [1, 1]} : vector<8x2048xi32> to vector<8x1792xi32>
      %concatenate3A_137 = tpu.concatenate %broadcast_in_dim3A_135, %slice3A_136 in 1 : vector<8x256xi32>, vector<8x1792xi32> -> vector<8x2048xi32>
      %add3A_138 = arith.addi %add3A_133, %concatenate3A_137 : vector<8x2048xi32>
      %broadcast_in_dim3A_139 = arith.constant 0 : i32
      %broadcast_in_dim3A_140 = vector.broadcast %broadcast_in_dim3A_139 : i32 to vector<8x512xi32>
      %slice3A_141 = vector.extract_strided_slice %add3A_138 {offsets = [0, 0], sizes = [8, 1536], strides = [1, 1]} : vector<8x2048xi32> to vector<8x1536xi32>
      %concatenate3A_142 = tpu.concatenate %broadcast_in_dim3A_140, %slice3A_141 in 1 : vector<8x512xi32>, vector<8x1536xi32> -> vector<8x2048xi32>
      %add3A_143 = arith.addi %add3A_138, %concatenate3A_142 : vector<8x2048xi32>
      %broadcast_in_dim3A_144 = arith.constant 0 : i32
      %broadcast_in_dim3A_145 = vector.broadcast %broadcast_in_dim3A_144 : i32 to vector<8x1024xi32>
      %slice3A_146 = vector.extract_strided_slice %add3A_143 {offsets = [0, 0], sizes = [8, 1024], strides = [1, 1]} : vector<8x2048xi32> to vector<8x1024xi32>
      %concatenate3A_147 = tpu.concatenate %broadcast_in_dim3A_145, %slice3A_146 in 1 : vector<8x1024xi32>, vector<8x1024xi32> -> vector<8x2048xi32>
      %add3A_148 = arith.addi %add3A_143, %concatenate3A_147 : vector<8x2048xi32>
      %sub3A = arith.subi %add3A_148, %add3A_93 : vector<8x2048xi32>
      %slice3A_149 = vector.extract_strided_slice %add3A_148 {offsets = [0, 2047], sizes = [8, 1], strides = [1, 1]} : vector<8x2048xi32> to vector<8x1xi32>
      %add3A_150 = arith.constant 256 : i32
      %add3A_151 = vector.broadcast %add3A_150 : i32 to vector<8x1xi32>
      %add3A_152 = arith.addi %slice3A_149, %add3A_151 : vector<8x1xi32>
      %sub3A_153 = arith.constant 1 : i32
      %sub3A_154 = vector.broadcast %sub3A_153 : i32 to vector<8x1xi32>
      %sub3A_155 = arith.subi %add3A_152, %sub3A_154 : vector<8x1xi32>
      %jit3A_156 = arith.constant 256 : i32
      %div3A = vector.broadcast %jit3A_156 : i32 to vector<8x1xi32>
      %div3A_157 = arith.divsi %sub3A_155, %div3A : vector<8x1xi32>
      %sign3A = arith.constant 0 : i32
      %sign3A_158 = vector.broadcast %sign3A : i32 to vector<8x1xi32>
      %sign3A_159 = arith.cmpi sgt, %sub3A_155, %sign3A_158 : vector<8x1xi32>
      %sign3A_160 = arith.extui %sign3A_159 : vector<8x1xi1> to vector<8x1xi32>
      %sign3A_161 = arith.constant 0 : i32
      %sign3A_162 = vector.broadcast %sign3A_161 : i32 to vector<8x1xi32>
      %sign3A_163 = arith.cmpi slt, %sub3A_155, %sign3A_162 : vector<8x1xi32>
      %sign3A_164 = arith.extui %sign3A_163 : vector<8x1xi1> to vector<8x1xi32>
      %sign3A_165 = arith.subi %sign3A_160, %sign3A_164 : vector<8x1xi32>
      %sign3A_166 = arith.constant 0 : i32
      %sign3A_167 = arith.cmpi sgt, %jit3A_156, %sign3A_166 : i32
      %sign3A_168 = arith.extui %sign3A_167 : i1 to i32
      %sign3A_169 = arith.constant 0 : i32
      %sign3A_170 = arith.cmpi slt, %jit3A_156, %sign3A_169 : i32
      %sign3A_171 = arith.extui %sign3A_170 : i1 to i32
      %sign3A_172 = arith.subi %sign3A_168, %sign3A_171 : i32
      %ne3A = vector.broadcast %sign3A_172 : i32 to vector<8x1xi32>
      %ne3A_173 = arith.cmpi ne, %sign3A_165, %ne3A : vector<8x1xi32>
      %rem3A = vector.broadcast %jit3A_156 : i32 to vector<8x1xi32>
      %rem3A_174 = arith.remsi %sub3A_155, %rem3A : vector<8x1xi32>
      %ne3A_175 = arith.constant 0 : i32
      %ne3A_176 = vector.broadcast %ne3A_175 : i32 to vector<8x1xi32>
      %ne3A_177 = arith.cmpi ne, %rem3A_174, %ne3A_176 : vector<8x1xi32>
      %and3A_178 = arith.andi %ne3A_173, %ne3A_177 : vector<8x1xi1>
      %sub3A_179 = arith.constant 1 : i32
      %sub3A_180 = vector.broadcast %sub3A_179 : i32 to vector<8x1xi32>
      %sub3A_181 = arith.subi %div3A_157, %sub3A_180 : vector<8x1xi32>
      %select_n3A_182 = arith.select %and3A_178, %sub3A_181, %div3A_157 : vector<8x1xi1>, vector<8x1xi32>
      %mul3A_183 = arith.constant 256 : i32
      %mul3A_184 = vector.broadcast %mul3A_183 : i32 to vector<8x1xi32>
      %mul3A_185 = arith.muli %select_n3A_182, %mul3A_184 : vector<8x1xi32>
      %broadcast_in_dim3A_186 = arith.constant 0 : i32
      %broadcast_in_dim3A_187 = vector.broadcast %broadcast_in_dim3A_186 : i32 to vector<1x1xi32>
      %slice3A_188 = vector.extract_strided_slice %mul3A_185 {offsets = [0, 0], sizes = [7, 1], strides = [1, 1]} : vector<8x1xi32> to vector<7x1xi32>
      %concatenate3A_189 = tpu.concatenate %broadcast_in_dim3A_187, %slice3A_188 in 0 : vector<1x1xi32>, vector<7x1xi32> -> vector<8x1xi32>
      %add3A_190 = arith.addi %mul3A_185, %concatenate3A_189 : vector<8x1xi32>
      %broadcast_in_dim3A_191 = arith.constant 0 : i32
      %broadcast_in_dim3A_192 = vector.broadcast %broadcast_in_dim3A_191 : i32 to vector<2x1xi32>
      %slice3A_193 = vector.extract_strided_slice %add3A_190 {offsets = [0, 0], sizes = [6, 1], strides = [1, 1]} : vector<8x1xi32> to vector<6x1xi32>
      %concatenate3A_194 = tpu.concatenate %broadcast_in_dim3A_192, %slice3A_193 in 0 : vector<2x1xi32>, vector<6x1xi32> -> vector<8x1xi32>
      %add3A_195 = arith.addi %add3A_190, %concatenate3A_194 : vector<8x1xi32>
      %broadcast_in_dim3A_196 = arith.constant 0 : i32
      %broadcast_in_dim3A_197 = vector.broadcast %broadcast_in_dim3A_196 : i32 to vector<4x1xi32>
      %slice3A_198 = vector.extract_strided_slice %add3A_195 {offsets = [0, 0], sizes = [4, 1], strides = [1, 1]} : vector<8x1xi32> to vector<4x1xi32>
      %concatenate3A_199 = tpu.concatenate %broadcast_in_dim3A_197, %slice3A_198 in 0 : vector<4x1xi32>, vector<4x1xi32> -> vector<8x1xi32>
      %add3A_200 = arith.addi %add3A_195, %concatenate3A_199 : vector<8x1xi32>
      %sub3A_201 = arith.subi %add3A_200, %mul3A_185 : vector<8x1xi32>
      %jit3A_202 = arith.constant 256 : i32
      %div3A_203 = vector.broadcast %jit3A_202 : i32 to vector<8x1xi32>
      %div3A_204 = arith.divsi %mul3A_185, %div3A_203 : vector<8x1xi32>
      %sign3A_205 = arith.constant 0 : i32
      %sign3A_206 = vector.broadcast %sign3A_205 : i32 to vector<8x1xi32>
      %sign3A_207 = arith.cmpi sgt, %mul3A_185, %sign3A_206 : vector<8x1xi32>
      %sign3A_208 = arith.extui %sign3A_207 : vector<8x1xi1> to vector<8x1xi32>
      %sign3A_209 = arith.constant 0 : i32
      %sign3A_210 = vector.broadcast %sign3A_209 : i32 to vector<8x1xi32>
      %sign3A_211 = arith.cmpi slt, %mul3A_185, %sign3A_210 : vector<8x1xi32>
      %sign3A_212 = arith.extui %sign3A_211 : vector<8x1xi1> to vector<8x1xi32>
      %sign3A_213 = arith.subi %sign3A_208, %sign3A_212 : vector<8x1xi32>
      %sign3A_214 = arith.constant 0 : i32
      %sign3A_215 = arith.cmpi sgt, %jit3A_202, %sign3A_214 : i32
      %sign3A_216 = arith.extui %sign3A_215 : i1 to i32
      %sign3A_217 = arith.constant 0 : i32
      %sign3A_218 = arith.cmpi slt, %jit3A_202, %sign3A_217 : i32
      %sign3A_219 = arith.extui %sign3A_218 : i1 to i32
      %sign3A_220 = arith.subi %sign3A_216, %sign3A_219 : i32
      %ne3A_221 = vector.broadcast %sign3A_220 : i32 to vector<8x1xi32>
      %ne3A_222 = arith.cmpi ne, %sign3A_213, %ne3A_221 : vector<8x1xi32>
      %rem3A_223 = vector.broadcast %jit3A_202 : i32 to vector<8x1xi32>
      %rem3A_224 = arith.remsi %mul3A_185, %rem3A_223 : vector<8x1xi32>
      %ne3A_225 = arith.constant 0 : i32
      %ne3A_226 = vector.broadcast %ne3A_225 : i32 to vector<8x1xi32>
      %ne3A_227 = arith.cmpi ne, %rem3A_224, %ne3A_226 : vector<8x1xi32>
      %and3A_228 = arith.andi %ne3A_222, %ne3A_227 : vector<8x1xi1>
      %sub3A_229 = arith.constant 1 : i32
      %sub3A_230 = vector.broadcast %sub3A_229 : i32 to vector<8x1xi32>
      %sub3A_231 = arith.subi %div3A_204, %sub3A_230 : vector<8x1xi32>
      %select_n3A_232 = arith.select %and3A_228, %sub3A_231, %div3A_204 : vector<8x1xi1>, vector<8x1xi32>
      %jit3A_233 = arith.constant 256 : i32
      %div3A_234 = vector.broadcast %jit3A_233 : i32 to vector<8x1xi32>
      %div3A_235 = arith.divsi %sub3A_201, %div3A_234 : vector<8x1xi32>
      %sign3A_236 = arith.constant 0 : i32
      %sign3A_237 = vector.broadcast %sign3A_236 : i32 to vector<8x1xi32>
      %sign3A_238 = arith.cmpi sgt, %sub3A_201, %sign3A_237 : vector<8x1xi32>
      %sign3A_239 = arith.extui %sign3A_238 : vector<8x1xi1> to vector<8x1xi32>
      %sign3A_240 = arith.constant 0 : i32
      %sign3A_241 = vector.broadcast %sign3A_240 : i32 to vector<8x1xi32>
      %sign3A_242 = arith.cmpi slt, %sub3A_201, %sign3A_241 : vector<8x1xi32>
      %sign3A_243 = arith.extui %sign3A_242 : vector<8x1xi1> to vector<8x1xi32>
      %sign3A_244 = arith.subi %sign3A_239, %sign3A_243 : vector<8x1xi32>
      %sign3A_245 = arith.constant 0 : i32
      %sign3A_246 = arith.cmpi sgt, %jit3A_233, %sign3A_245 : i32
      %sign3A_247 = arith.extui %sign3A_246 : i1 to i32
      %sign3A_248 = arith.constant 0 : i32
      %sign3A_249 = arith.cmpi slt, %jit3A_233, %sign3A_248 : i32
      %sign3A_250 = arith.extui %sign3A_249 : i1 to i32
      %sign3A_251 = arith.subi %sign3A_247, %sign3A_250 : i32
      %ne3A_252 = vector.broadcast %sign3A_251 : i32 to vector<8x1xi32>
      %ne3A_253 = arith.cmpi ne, %sign3A_244, %ne3A_252 : vector<8x1xi32>
      %rem3A_254 = vector.broadcast %jit3A_233 : i32 to vector<8x1xi32>
      %rem3A_255 = arith.remsi %sub3A_201, %rem3A_254 : vector<8x1xi32>
      %ne3A_256 = arith.constant 0 : i32
      %ne3A_257 = vector.broadcast %ne3A_256 : i32 to vector<8x1xi32>
      %ne3A_258 = arith.cmpi ne, %rem3A_255, %ne3A_257 : vector<8x1xi32>
      %and3A_259 = arith.andi %ne3A_253, %ne3A_258 : vector<8x1xi1>
      %sub3A_260 = arith.constant 1 : i32
      %sub3A_261 = vector.broadcast %sub3A_260 : i32 to vector<8x1xi32>
      %sub3A_262 = arith.subi %div3A_235, %sub3A_261 : vector<8x1xi32>
      %select_n3A_263 = arith.select %and3A_259, %sub3A_262, %div3A_235 : vector<8x1xi1>, vector<8x1xi32>
      %reduce_sum3A = arith.constant dense<0> : vector<1xi32>
      %reduce_sum3A_264 = vector.multi_reduction <add>, %select_n3A_232, %reduce_sum3A [0] : vector<8x1xi32> to vector<1xi32>
      %broadcast_in_dim3A_265 = vector.shape_cast %reduce_sum3A_264 : vector<1xi32> to vector<1x1xi32>
      %iota3A_266 = tpu.iota {dimensions = array<i32: 0>} : vector<8x128xi32>
      %iota3A_267 = tpu.iota {dimensions = array<i32: 1>} : vector<8x128xi32>
      %ge3A = vector.broadcast %select_n3A_263 : vector<8x1xi32> to vector<8x128xi32>
      %ge3A_268 = arith.cmpi sge, %iota3A_267, %ge3A : vector<8x128xi32>
      %add3A_269 = arith.addi %select_n3A_263, %select_n3A_232 : vector<8x1xi32>
      %lt3A = vector.broadcast %add3A_269 : vector<8x1xi32> to vector<8x128xi32>
      %lt3A_270 = arith.cmpi slt, %iota3A_267, %lt3A : vector<8x128xi32>
      %and3A_271 = arith.andi %ge3A_268, %lt3A_270 : vector<8x128xi1>
      %jit3A_272 = arith.constant 0 : i32
      %broadcast_in_dim3A_273 = vector.broadcast %jit3A_272 : i32 to vector<8x128xi32>
      %select_n3A_274 = arith.select %and3A_271, %iota3A_266, %broadcast_in_dim3A_273 : vector<8x128xi1>, vector<8x128xi32>
      %reduce_sum3A_275 = arith.constant dense<0> : vector<128xi32>
      %reduce_sum3A_276 = vector.multi_reduction <add>, %select_n3A_274, %reduce_sum3A_275 [0] : vector<8x128xi32> to vector<128xi32>
      %broadcast_in_dim3A_277 = vector.shape_cast %reduce_sum3A_276 : vector<128xi32> to vector<1x128xi32>
      %sub3A_278 = arith.constant 1 : i32
      %sub3A_279 = vector.broadcast %sub3A_278 : i32 to vector<1x1xi32>
      %sub3A_280 = arith.subi %broadcast_in_dim3A_265, %sub3A_279 : vector<1x1xi32>
      %le3A = vector.broadcast %sub3A_280 : vector<1x1xi32> to vector<8x1xi32>
      %le3A_281 = arith.cmpi sle, %select_n3A_263, %le3A : vector<8x1xi32>
      %add3A_282 = arith.addi %select_n3A_263, %select_n3A_232 : vector<8x1xi32>
      %lt3A_283 = vector.broadcast %sub3A_280 : vector<1x1xi32> to vector<8x1xi32>
      %lt3A_284 = arith.cmpi slt, %lt3A_283, %add3A_282 : vector<8x1xi32>
      %and3A_285 = arith.andi %le3A_281, %lt3A_284 : vector<8x1xi1>
      %slice3A_286 = vector.extract_strided_slice %iota3A_266 {offsets = [0, 0], sizes = [8, 1], strides = [1, 1]} : vector<8x128xi32> to vector<8x1xi32>
      %jit3A_287 = arith.constant 0 : i32
      %broadcast_in_dim3A_288 = vector.broadcast %jit3A_287 : i32 to vector<8x1xi32>
      %select_n3A_289 = arith.select %and3A_285, %slice3A_286, %broadcast_in_dim3A_288 : vector<8x1xi1>, vector<8x1xi32>
      %reduce_sum3A_290 = arith.constant dense<0> : vector<1xi32>
      %reduce_sum3A_291 = vector.multi_reduction <add>, %select_n3A_289, %reduce_sum3A_290 [0] : vector<8x1xi32> to vector<1xi32>
      %broadcast_in_dim3A_292 = vector.shape_cast %reduce_sum3A_291 : vector<1xi32> to vector<1x1xi32>
      %iota3A_293 = tpu.iota {dimensions = array<i32: 1>} : vector<1x128xi32>
      %lt3A_294 = vector.broadcast %broadcast_in_dim3A_265 : vector<1x1xi32> to vector<1x128xi32>
      %lt3A_295 = arith.cmpi slt, %iota3A_293, %lt3A_294 : vector<1x128xi32>
      %broadcast_in_dim3A_296 = vector.shape_cast %broadcast_in_dim3A_292 : vector<1x1xi32> to vector<1x1xi32>
      %broadcast_in_dim3A_297 = vector.broadcast %broadcast_in_dim3A_296 : vector<1x1xi32> to vector<1x128xi32>
      %select_n3A_298 = arith.select %lt3A_295, %broadcast_in_dim3A_277, %broadcast_in_dim3A_297 : vector<1x128xi1>, vector<1x128xi32>
      %broadcast_in_dim3A_299 = vector.shape_cast %broadcast_in_dim3A_265 : vector<1x1xi32> to vector<1x1xi32>
      %broadcast_in_dim3A_300 = vector.broadcast %broadcast_in_dim3A_299 : vector<1x1xi32> to vector<1x128xi32>
      %concatenate3A_301 = tpu.concatenate %select_n3A_298, %broadcast_in_dim3A_300 in 0 : vector<1x128xi32>, vector<1x128xi32> -> vector<2x128xi32>
      %swap3A_302 = arith.constant 0 : index
      %swap3A_303 = arith.constant 0 : index
      %swap3A_304 = vector.load %arg7[%swap3A_302, %swap3A_303] : memref<2x128xi32, #tpu.memory_space<vmem>>, vector<2x128xi32>
      tpu.vector_store %arg7[%swap3A_302, %swap3A_303], %concatenate3A_301 {strides = array<i32>} : memref<2x128xi32, #tpu.memory_space<vmem>>, vector<2x128xi32>,
      %add3A_305 = vector.broadcast %sub3A_201 : vector<8x1xi32> to vector<8x2048xi32>
      %add3A_306 = arith.addi %add3A_305, %sub3A : vector<8x2048xi32>
      %mul3A_307 = arith.muli %convert_element_type3A_89, %add3A_306 : vector<8x2048xi32>
      %reduce_sum3A_308 = arith.constant dense<0> : vector<2048xi32>
      %reduce_sum3A_309 = vector.multi_reduction <add>, %mul3A_307, %reduce_sum3A_308 [0] : vector<8x2048xi32> to vector<2048xi32>
      %broadcast_in_dim3A_310 = vector.shape_cast %reduce_sum3A_309 : vector<2048xi32> to vector<1x2048xi32>
      %mul3A_311 = arith.muli %convert_element_type3A_92, %add3A_306 : vector<8x2048xi32>
      %reduce_sum3A_312 = arith.constant dense<0> : vector<2048xi32>
      %reduce_sum3A_313 = vector.multi_reduction <add>, %mul3A_311, %reduce_sum3A_312 [0] : vector<8x2048xi32> to vector<2048xi32>
      %broadcast_in_dim3A_314 = vector.shape_cast %reduce_sum3A_313 : vector<2048xi32> to vector<1x2048xi32>
      %concatenate3A_315 = tpu.concatenate %broadcast_in_dim3A_310, %broadcast_in_dim3A_314 in 0 : vector<1x2048xi32>, vector<1x2048xi32> -> vector<2x2048xi32>
      %reshape3A_316 = vector.shape_cast %concatenate3A_315 : vector<2x2048xi32> to vector<2x1x2048xi32>
      %swap3A_317 = arith.constant 0 : index
      %swap3A_318 = arith.constant 0 : index
      %swap3A_319 = arith.constant 0 : index
      %swap3A_320 = vector.load %arg6[%swap3A_317, %swap3A_318, %swap3A_319] : memref<2x1x2048xi32, #tpu.memory_space<vmem>>, vector<2x1x2048xi32>
      tpu.vector_store %arg6[%swap3A_317, %swap3A_318, %swap3A_319], %reshape3A_316 {strides = array<i32>} : memref<2x1x2048xi32, #tpu.memory_space<vmem>>, vector<2x1x2048xi32>,
    } else {
    }
    return
  }
  func.func @transform_0(%arg0: i32) -> (i32, i32) {
    %c0_i32 = arith.constant 0 : i32
    %c0_i32_0 = arith.constant 0 : i32
    return %arg0, %c0_i32 : i32, i32
  }
  func.func @transform_1(%arg0: i32) -> (i32, i32) {
    %c0_i32 = arith.constant 0 : i32
    %c0_i32_0 = arith.constant 0 : i32
    %c0_i32_1 = arith.constant 0 : i32
    return %c0_i32, %c0_i32_0 : i32, i32
  }
  func.func @transform_2(%arg0: i32) -> (i32, i32) {
    %c0_i32 = arith.constant 0 : i32
    %c0_i32_0 = arith.constant 0 : i32
    %c0_i32_1 = arith.constant 0 : i32
    return %c0_i32, %c0_i32_0 : i32, i32
  }
  func.func @transform_3(%arg0: i32) -> (i32, i32) {
    %c0_i32 = arith.constant 0 : i32
    %c0_i32_0 = arith.constant 0 : i32
    return %arg0, %c0_i32 : i32, i32
  }
  func.func @transform_4(%arg0: i32) -> (i32, i32, i32) {
    %c0_i32 = arith.constant 0 : i32
    %c0_i32_0 = arith.constant 0 : i32
    %c0_i32_1 = arith.constant 0 : i32
    return %c0_i32, %c0_i32_0, %arg0 : i32, i32, i32
  }
  func.func @transform_5(%arg0: i32) -> (i32, i32, i32) {
    %c0_i32 = arith.constant 0 : i32
    %c0_i32_0 = arith.constant 0 : i32
    %c0_i32_1 = arith.constant 0 : i32
    %c0_i32_2 = arith.constant 0 : i32
    return %c0_i32, %c0_i32_0, %c0_i32_1 : i32, i32, i32
  }
  func.func @transform_6(%arg0: i32) -> (i32, i32) {
    %c0_i32 = arith.constant 0 : i32
    %c0_i32_0 = arith.constant 0 : i32
    %c0_i32_1 = arith.constant 0 : i32
    return %c0_i32, %c0_i32_0 : i32, i32
  }
}

module attributes {stable_mosaic.version = 14 : i64} {
  func.func @_ffn_block_kernel(%arg0: i32, %arg1: memref<40xi32, #tpu.memory_space<smem>>, %arg2: memref<1xi32, #tpu.memory_space<smem>>, %arg3: memref<256x512xi32, #tpu.memory_space<vmem>>, %arg4: memref<16x1x512x64xf32, #tpu.memory_space<vmem>>, %arg5: memref<16x1x512x64xf32, #tpu.memory_space<vmem>>, %arg6: memref<256x512xi32, #tpu.memory_space<vmem>>) attributes {dimension_semantics = [#tpu.dimension_semantics<arbitrary>], iteration_bounds = array<i64: 40>, scalar_prefetch = 2 : i64, scratch_operands = 0 : i64, tpu.core_type = #tpu.core_type<tc>, window_params = [{transform_indices = @transform_0, window_bounds = array<i64: 256, 512>}, {transform_indices = @transform_1, window_bounds = array<i64: 16, 1, 512, 64>}, {transform_indices = @transform_2, window_bounds = array<i64: 16, 1, 512, 64>}, {transform_indices = @transform_3, window_bounds = array<i64: 256, 512>}]} {
    %get3A = arith.constant 0 : index
    %get3A_0 = memref.load %arg2[%get3A] : memref<1xi32, #tpu.memory_space<smem>>
    %lt3A = arith.cmpi slt, %arg0, %get3A_0 : i32
    %convert_element_type3A = arith.extui %lt3A : i1 to i32
    %cond3A = arith.constant 0 : i32
    %cond3A_1 = arith.cmpi ne, %convert_element_type3A, %cond3A : i32
    scf.if %cond3A_1 {
      %get3A_2 = arith.constant 0 : index
      %get3A_3 = arith.constant 0 : index
      %get3A_4 = vector.load %arg3[%get3A_2, %get3A_3] : memref<256x512xi32, #tpu.memory_space<vmem>>, vector<256x512xi32>
      %and3A = arith.constant -65536 : i32
      %and3A_5 = vector.broadcast %and3A : i32 to vector<256x512xi32>
      %and3A_6 = arith.andi %get3A_4, %and3A_5 : vector<256x512xi32>
      %bitcast_convert_type3A = tpu.bitcast %and3A_6 : vector<256x512xi32> -> vector<256x512xf32>
      %shift_left3A = arith.constant 16 : i32
      %shift_left3A_7 = vector.broadcast %shift_left3A : i32 to vector<256x512xi32>
      %shift_left3A_8 = arith.shli %get3A_4, %shift_left3A_7 : vector<256x512xi32>
      %bitcast_convert_type3A_9 = tpu.bitcast %shift_left3A_8 : vector<256x512xi32> -> vector<256x512xf32>
      %concatenate3A = tpu.concatenate %bitcast_convert_type3A, %bitcast_convert_type3A_9 in 1 : vector<256x512xf32>, vector<256x512xf32> -> vector<256x1024xf32>
      %slice3A = vector.extract_strided_slice %concatenate3A {offsets = [0, 0], sizes = [256, 64], strides = [1, 1]} : vector<256x1024xf32> to vector<256x64xf32>
      %get3A_10 = arith.constant 0 : index
      %get3A_11 = arith.constant 0 : index
      %get3A_12 = arith.constant 0 : index
      %get3A_13 = arith.constant 0 : index
      %get3A_14 = vector.load %arg4[%get3A_10, %get3A_11, %get3A_12, %get3A_13] : memref<16x1x512x64xf32, #tpu.memory_space<vmem>>, vector<1x1x512x64xf32>
      %get3A_15 = vector.shape_cast %get3A_14 : vector<1x1x512x64xf32> to vector<512x64xf32>
      %dot_general3A = arith.constant dense<0.000000e+00> : vector<256x512xf32>
      %dot_general3A_16 = tpu.matmul %slice3A, %get3A_15, %dot_general3A {dimension_numbers = #tpu.dot_dimension_numbers<[1], [1], [0], [0], [0, 0, 1, 0], [], []>, transpose_lhs_hint = false} : vector<256x64xf32>, vector<512x64xf32>, vector<256x512xf32> -> vector<256x512xf32>
      %mul3A = arith.constant 0.707106769 : f32
      %mul3A_17 = vector.broadcast %mul3A : f32 to vector<256x512xf32>
      %mul3A_18 = arith.mulf %dot_general3A_16, %mul3A_17 : vector<256x512xf32>
      %erf3A = math.erf %mul3A_18 : vector<256x512xf32>
      %mul3A_19 = arith.mulf %dot_general3A_16, %erf3A : vector<256x512xf32>
      %add3A = arith.addf %dot_general3A_16, %mul3A_19 : vector<256x512xf32>
      %get3A_20 = arith.constant 0 : index
      %get3A_21 = arith.constant 0 : index
      %get3A_22 = arith.constant 0 : index
      %get3A_23 = arith.constant 0 : index
      %get3A_24 = vector.load %arg5[%get3A_20, %get3A_21, %get3A_22, %get3A_23] : memref<16x1x512x64xf32, #tpu.memory_space<vmem>>, vector<1x1x512x64xf32>
      %get3A_25 = vector.shape_cast %get3A_24 : vector<1x1x512x64xf32> to vector<512x64xf32>
      %dot_general3A_26 = arith.constant dense<0.000000e+00> : vector<256x64xf32>
      %dot_general3A_27 = tpu.matmul %add3A, %get3A_25, %dot_general3A_26 {dimension_numbers = #tpu.dot_dimension_numbers<[1], [0], [0], [1], [0, 0, 1, 1], [], []>, transpose_lhs_hint = false} : vector<256x512xf32>, vector<512x64xf32>, vector<256x64xf32> -> vector<256x64xf32>
      %slice3A_28 = vector.extract_strided_slice %concatenate3A {offsets = [0, 64], sizes = [256, 64], strides = [1, 1]} : vector<256x1024xf32> to vector<256x64xf32>
      %get3A_29 = arith.constant 1 : index
      %get3A_30 = arith.constant 0 : index
      %get3A_31 = arith.constant 0 : index
      %get3A_32 = arith.constant 0 : index
      %get3A_33 = vector.load %arg4[%get3A_29, %get3A_30, %get3A_31, %get3A_32] : memref<16x1x512x64xf32, #tpu.memory_space<vmem>>, vector<1x1x512x64xf32>
      %get3A_34 = vector.shape_cast %get3A_33 : vector<1x1x512x64xf32> to vector<512x64xf32>
      %dot_general3A_35 = arith.constant dense<0.000000e+00> : vector<256x512xf32>
      %dot_general3A_36 = tpu.matmul %slice3A_28, %get3A_34, %dot_general3A_35 {dimension_numbers = #tpu.dot_dimension_numbers<[1], [1], [0], [0], [0, 0, 1, 0], [], []>, transpose_lhs_hint = false} : vector<256x64xf32>, vector<512x64xf32>, vector<256x512xf32> -> vector<256x512xf32>
      %mul3A_37 = arith.constant 0.707106769 : f32
      %mul3A_38 = vector.broadcast %mul3A_37 : f32 to vector<256x512xf32>
      %mul3A_39 = arith.mulf %dot_general3A_36, %mul3A_38 : vector<256x512xf32>
      %erf3A_40 = math.erf %mul3A_39 : vector<256x512xf32>
      %mul3A_41 = arith.mulf %dot_general3A_36, %erf3A_40 : vector<256x512xf32>
      %add3A_42 = arith.addf %dot_general3A_36, %mul3A_41 : vector<256x512xf32>
      %get3A_43 = arith.constant 1 : index
      %get3A_44 = arith.constant 0 : index
      %get3A_45 = arith.constant 0 : index
      %get3A_46 = arith.constant 0 : index
      %get3A_47 = vector.load %arg5[%get3A_43, %get3A_44, %get3A_45, %get3A_46] : memref<16x1x512x64xf32, #tpu.memory_space<vmem>>, vector<1x1x512x64xf32>
      %get3A_48 = vector.shape_cast %get3A_47 : vector<1x1x512x64xf32> to vector<512x64xf32>
      %dot_general3A_49 = arith.constant dense<0.000000e+00> : vector<256x64xf32>
      %dot_general3A_50 = tpu.matmul %add3A_42, %get3A_48, %dot_general3A_49 {dimension_numbers = #tpu.dot_dimension_numbers<[1], [0], [0], [1], [0, 0, 1, 1], [], []>, transpose_lhs_hint = false} : vector<256x512xf32>, vector<512x64xf32>, vector<256x64xf32> -> vector<256x64xf32>
      %slice3A_51 = vector.extract_strided_slice %concatenate3A {offsets = [0, 128], sizes = [256, 64], strides = [1, 1]} : vector<256x1024xf32> to vector<256x64xf32>
      %get3A_52 = arith.constant 2 : index
      %get3A_53 = arith.constant 0 : index
      %get3A_54 = arith.constant 0 : index
      %get3A_55 = arith.constant 0 : index
      %get3A_56 = vector.load %arg4[%get3A_52, %get3A_53, %get3A_54, %get3A_55] : memref<16x1x512x64xf32, #tpu.memory_space<vmem>>, vector<1x1x512x64xf32>
      %get3A_57 = vector.shape_cast %get3A_56 : vector<1x1x512x64xf32> to vector<512x64xf32>
      %dot_general3A_58 = arith.constant dense<0.000000e+00> : vector<256x512xf32>
      %dot_general3A_59 = tpu.matmul %slice3A_51, %get3A_57, %dot_general3A_58 {dimension_numbers = #tpu.dot_dimension_numbers<[1], [1], [0], [0], [0, 0, 1, 0], [], []>, transpose_lhs_hint = false} : vector<256x64xf32>, vector<512x64xf32>, vector<256x512xf32> -> vector<256x512xf32>
      %mul3A_60 = arith.constant 0.707106769 : f32
      %mul3A_61 = vector.broadcast %mul3A_60 : f32 to vector<256x512xf32>
      %mul3A_62 = arith.mulf %dot_general3A_59, %mul3A_61 : vector<256x512xf32>
      %erf3A_63 = math.erf %mul3A_62 : vector<256x512xf32>
      %mul3A_64 = arith.mulf %dot_general3A_59, %erf3A_63 : vector<256x512xf32>
      %add3A_65 = arith.addf %dot_general3A_59, %mul3A_64 : vector<256x512xf32>
      %get3A_66 = arith.constant 2 : index
      %get3A_67 = arith.constant 0 : index
      %get3A_68 = arith.constant 0 : index
      %get3A_69 = arith.constant 0 : index
      %get3A_70 = vector.load %arg5[%get3A_66, %get3A_67, %get3A_68, %get3A_69] : memref<16x1x512x64xf32, #tpu.memory_space<vmem>>, vector<1x1x512x64xf32>
      %get3A_71 = vector.shape_cast %get3A_70 : vector<1x1x512x64xf32> to vector<512x64xf32>
      %dot_general3A_72 = arith.constant dense<0.000000e+00> : vector<256x64xf32>
      %dot_general3A_73 = tpu.matmul %add3A_65, %get3A_71, %dot_general3A_72 {dimension_numbers = #tpu.dot_dimension_numbers<[1], [0], [0], [1], [0, 0, 1, 1], [], []>, transpose_lhs_hint = false} : vector<256x512xf32>, vector<512x64xf32>, vector<256x64xf32> -> vector<256x64xf32>
      %slice3A_74 = vector.extract_strided_slice %concatenate3A {offsets = [0, 192], sizes = [256, 64], strides = [1, 1]} : vector<256x1024xf32> to vector<256x64xf32>
      %get3A_75 = arith.constant 3 : index
      %get3A_76 = arith.constant 0 : index
      %get3A_77 = arith.constant 0 : index
      %get3A_78 = arith.constant 0 : index
      %get3A_79 = vector.load %arg4[%get3A_75, %get3A_76, %get3A_77, %get3A_78] : memref<16x1x512x64xf32, #tpu.memory_space<vmem>>, vector<1x1x512x64xf32>
      %get3A_80 = vector.shape_cast %get3A_79 : vector<1x1x512x64xf32> to vector<512x64xf32>
      %dot_general3A_81 = arith.constant dense<0.000000e+00> : vector<256x512xf32>
      %dot_general3A_82 = tpu.matmul %slice3A_74, %get3A_80, %dot_general3A_81 {dimension_numbers = #tpu.dot_dimension_numbers<[1], [1], [0], [0], [0, 0, 1, 0], [], []>, transpose_lhs_hint = false} : vector<256x64xf32>, vector<512x64xf32>, vector<256x512xf32> -> vector<256x512xf32>
      %mul3A_83 = arith.constant 0.707106769 : f32
      %mul3A_84 = vector.broadcast %mul3A_83 : f32 to vector<256x512xf32>
      %mul3A_85 = arith.mulf %dot_general3A_82, %mul3A_84 : vector<256x512xf32>
      %erf3A_86 = math.erf %mul3A_85 : vector<256x512xf32>
      %mul3A_87 = arith.mulf %dot_general3A_82, %erf3A_86 : vector<256x512xf32>
      %add3A_88 = arith.addf %dot_general3A_82, %mul3A_87 : vector<256x512xf32>
      %get3A_89 = arith.constant 3 : index
      %get3A_90 = arith.constant 0 : index
      %get3A_91 = arith.constant 0 : index
      %get3A_92 = arith.constant 0 : index
      %get3A_93 = vector.load %arg5[%get3A_89, %get3A_90, %get3A_91, %get3A_92] : memref<16x1x512x64xf32, #tpu.memory_space<vmem>>, vector<1x1x512x64xf32>
      %get3A_94 = vector.shape_cast %get3A_93 : vector<1x1x512x64xf32> to vector<512x64xf32>
      %dot_general3A_95 = arith.constant dense<0.000000e+00> : vector<256x64xf32>
      %dot_general3A_96 = tpu.matmul %add3A_88, %get3A_94, %dot_general3A_95 {dimension_numbers = #tpu.dot_dimension_numbers<[1], [0], [0], [1], [0, 0, 1, 1], [], []>, transpose_lhs_hint = false} : vector<256x512xf32>, vector<512x64xf32>, vector<256x64xf32> -> vector<256x64xf32>
      %slice3A_97 = vector.extract_strided_slice %concatenate3A {offsets = [0, 256], sizes = [256, 64], strides = [1, 1]} : vector<256x1024xf32> to vector<256x64xf32>
      %get3A_98 = arith.constant 4 : index
      %get3A_99 = arith.constant 0 : index
      %get3A_100 = arith.constant 0 : index
      %get3A_101 = arith.constant 0 : index
      %get3A_102 = vector.load %arg4[%get3A_98, %get3A_99, %get3A_100, %get3A_101] : memref<16x1x512x64xf32, #tpu.memory_space<vmem>>, vector<1x1x512x64xf32>
      %get3A_103 = vector.shape_cast %get3A_102 : vector<1x1x512x64xf32> to vector<512x64xf32>
      %dot_general3A_104 = arith.constant dense<0.000000e+00> : vector<256x512xf32>
      %dot_general3A_105 = tpu.matmul %slice3A_97, %get3A_103, %dot_general3A_104 {dimension_numbers = #tpu.dot_dimension_numbers<[1], [1], [0], [0], [0, 0, 1, 0], [], []>, transpose_lhs_hint = false} : vector<256x64xf32>, vector<512x64xf32>, vector<256x512xf32> -> vector<256x512xf32>
      %mul3A_106 = arith.constant 0.707106769 : f32
      %mul3A_107 = vector.broadcast %mul3A_106 : f32 to vector<256x512xf32>
      %mul3A_108 = arith.mulf %dot_general3A_105, %mul3A_107 : vector<256x512xf32>
      %erf3A_109 = math.erf %mul3A_108 : vector<256x512xf32>
      %mul3A_110 = arith.mulf %dot_general3A_105, %erf3A_109 : vector<256x512xf32>
      %add3A_111 = arith.addf %dot_general3A_105, %mul3A_110 : vector<256x512xf32>
      %get3A_112 = arith.constant 4 : index
      %get3A_113 = arith.constant 0 : index
      %get3A_114 = arith.constant 0 : index
      %get3A_115 = arith.constant 0 : index
      %get3A_116 = vector.load %arg5[%get3A_112, %get3A_113, %get3A_114, %get3A_115] : memref<16x1x512x64xf32, #tpu.memory_space<vmem>>, vector<1x1x512x64xf32>
      %get3A_117 = vector.shape_cast %get3A_116 : vector<1x1x512x64xf32> to vector<512x64xf32>
      %dot_general3A_118 = arith.constant dense<0.000000e+00> : vector<256x64xf32>
      %dot_general3A_119 = tpu.matmul %add3A_111, %get3A_117, %dot_general3A_118 {dimension_numbers = #tpu.dot_dimension_numbers<[1], [0], [0], [1], [0, 0, 1, 1], [], []>, transpose_lhs_hint = false} : vector<256x512xf32>, vector<512x64xf32>, vector<256x64xf32> -> vector<256x64xf32>
      %slice3A_120 = vector.extract_strided_slice %concatenate3A {offsets = [0, 320], sizes = [256, 64], strides = [1, 1]} : vector<256x1024xf32> to vector<256x64xf32>
      %get3A_121 = arith.constant 5 : index
      %get3A_122 = arith.constant 0 : index
      %get3A_123 = arith.constant 0 : index
      %get3A_124 = arith.constant 0 : index
      %get3A_125 = vector.load %arg4[%get3A_121, %get3A_122, %get3A_123, %get3A_124] : memref<16x1x512x64xf32, #tpu.memory_space<vmem>>, vector<1x1x512x64xf32>
      %get3A_126 = vector.shape_cast %get3A_125 : vector<1x1x512x64xf32> to vector<512x64xf32>
      %dot_general3A_127 = arith.constant dense<0.000000e+00> : vector<256x512xf32>
      %dot_general3A_128 = tpu.matmul %slice3A_120, %get3A_126, %dot_general3A_127 {dimension_numbers = #tpu.dot_dimension_numbers<[1], [1], [0], [0], [0, 0, 1, 0], [], []>, transpose_lhs_hint = false} : vector<256x64xf32>, vector<512x64xf32>, vector<256x512xf32> -> vector<256x512xf32>
      %mul3A_129 = arith.constant 0.707106769 : f32
      %mul3A_130 = vector.broadcast %mul3A_129 : f32 to vector<256x512xf32>
      %mul3A_131 = arith.mulf %dot_general3A_128, %mul3A_130 : vector<256x512xf32>
      %erf3A_132 = math.erf %mul3A_131 : vector<256x512xf32>
      %mul3A_133 = arith.mulf %dot_general3A_128, %erf3A_132 : vector<256x512xf32>
      %add3A_134 = arith.addf %dot_general3A_128, %mul3A_133 : vector<256x512xf32>
      %get3A_135 = arith.constant 5 : index
      %get3A_136 = arith.constant 0 : index
      %get3A_137 = arith.constant 0 : index
      %get3A_138 = arith.constant 0 : index
      %get3A_139 = vector.load %arg5[%get3A_135, %get3A_136, %get3A_137, %get3A_138] : memref<16x1x512x64xf32, #tpu.memory_space<vmem>>, vector<1x1x512x64xf32>
      %get3A_140 = vector.shape_cast %get3A_139 : vector<1x1x512x64xf32> to vector<512x64xf32>
      %dot_general3A_141 = arith.constant dense<0.000000e+00> : vector<256x64xf32>
      %dot_general3A_142 = tpu.matmul %add3A_134, %get3A_140, %dot_general3A_141 {dimension_numbers = #tpu.dot_dimension_numbers<[1], [0], [0], [1], [0, 0, 1, 1], [], []>, transpose_lhs_hint = false} : vector<256x512xf32>, vector<512x64xf32>, vector<256x64xf32> -> vector<256x64xf32>
      %slice3A_143 = vector.extract_strided_slice %concatenate3A {offsets = [0, 384], sizes = [256, 64], strides = [1, 1]} : vector<256x1024xf32> to vector<256x64xf32>
      %get3A_144 = arith.constant 6 : index
      %get3A_145 = arith.constant 0 : index
      %get3A_146 = arith.constant 0 : index
      %get3A_147 = arith.constant 0 : index
      %get3A_148 = vector.load %arg4[%get3A_144, %get3A_145, %get3A_146, %get3A_147] : memref<16x1x512x64xf32, #tpu.memory_space<vmem>>, vector<1x1x512x64xf32>
      %get3A_149 = vector.shape_cast %get3A_148 : vector<1x1x512x64xf32> to vector<512x64xf32>
      %dot_general3A_150 = arith.constant dense<0.000000e+00> : vector<256x512xf32>
      %dot_general3A_151 = tpu.matmul %slice3A_143, %get3A_149, %dot_general3A_150 {dimension_numbers = #tpu.dot_dimension_numbers<[1], [1], [0], [0], [0, 0, 1, 0], [], []>, transpose_lhs_hint = false} : vector<256x64xf32>, vector<512x64xf32>, vector<256x512xf32> -> vector<256x512xf32>
      %mul3A_152 = arith.constant 0.707106769 : f32
      %mul3A_153 = vector.broadcast %mul3A_152 : f32 to vector<256x512xf32>
      %mul3A_154 = arith.mulf %dot_general3A_151, %mul3A_153 : vector<256x512xf32>
      %erf3A_155 = math.erf %mul3A_154 : vector<256x512xf32>
      %mul3A_156 = arith.mulf %dot_general3A_151, %erf3A_155 : vector<256x512xf32>
      %add3A_157 = arith.addf %dot_general3A_151, %mul3A_156 : vector<256x512xf32>
      %get3A_158 = arith.constant 6 : index
      %get3A_159 = arith.constant 0 : index
      %get3A_160 = arith.constant 0 : index
      %get3A_161 = arith.constant 0 : index
      %get3A_162 = vector.load %arg5[%get3A_158, %get3A_159, %get3A_160, %get3A_161] : memref<16x1x512x64xf32, #tpu.memory_space<vmem>>, vector<1x1x512x64xf32>
      %get3A_163 = vector.shape_cast %get3A_162 : vector<1x1x512x64xf32> to vector<512x64xf32>
      %dot_general3A_164 = arith.constant dense<0.000000e+00> : vector<256x64xf32>
      %dot_general3A_165 = tpu.matmul %add3A_157, %get3A_163, %dot_general3A_164 {dimension_numbers = #tpu.dot_dimension_numbers<[1], [0], [0], [1], [0, 0, 1, 1], [], []>, transpose_lhs_hint = false} : vector<256x512xf32>, vector<512x64xf32>, vector<256x64xf32> -> vector<256x64xf32>
      %slice3A_166 = vector.extract_strided_slice %concatenate3A {offsets = [0, 448], sizes = [256, 64], strides = [1, 1]} : vector<256x1024xf32> to vector<256x64xf32>
      %get3A_167 = arith.constant 7 : index
      %get3A_168 = arith.constant 0 : index
      %get3A_169 = arith.constant 0 : index
      %get3A_170 = arith.constant 0 : index
      %get3A_171 = vector.load %arg4[%get3A_167, %get3A_168, %get3A_169, %get3A_170] : memref<16x1x512x64xf32, #tpu.memory_space<vmem>>, vector<1x1x512x64xf32>
      %get3A_172 = vector.shape_cast %get3A_171 : vector<1x1x512x64xf32> to vector<512x64xf32>
      %dot_general3A_173 = arith.constant dense<0.000000e+00> : vector<256x512xf32>
      %dot_general3A_174 = tpu.matmul %slice3A_166, %get3A_172, %dot_general3A_173 {dimension_numbers = #tpu.dot_dimension_numbers<[1], [1], [0], [0], [0, 0, 1, 0], [], []>, transpose_lhs_hint = false} : vector<256x64xf32>, vector<512x64xf32>, vector<256x512xf32> -> vector<256x512xf32>
      %mul3A_175 = arith.constant 0.707106769 : f32
      %mul3A_176 = vector.broadcast %mul3A_175 : f32 to vector<256x512xf32>
      %mul3A_177 = arith.mulf %dot_general3A_174, %mul3A_176 : vector<256x512xf32>
      %erf3A_178 = math.erf %mul3A_177 : vector<256x512xf32>
      %mul3A_179 = arith.mulf %dot_general3A_174, %erf3A_178 : vector<256x512xf32>
      %add3A_180 = arith.addf %dot_general3A_174, %mul3A_179 : vector<256x512xf32>
      %get3A_181 = arith.constant 7 : index
      %get3A_182 = arith.constant 0 : index
      %get3A_183 = arith.constant 0 : index
      %get3A_184 = arith.constant 0 : index
      %get3A_185 = vector.load %arg5[%get3A_181, %get3A_182, %get3A_183, %get3A_184] : memref<16x1x512x64xf32, #tpu.memory_space<vmem>>, vector<1x1x512x64xf32>
      %get3A_186 = vector.shape_cast %get3A_185 : vector<1x1x512x64xf32> to vector<512x64xf32>
      %dot_general3A_187 = arith.constant dense<0.000000e+00> : vector<256x64xf32>
      %dot_general3A_188 = tpu.matmul %add3A_180, %get3A_186, %dot_general3A_187 {dimension_numbers = #tpu.dot_dimension_numbers<[1], [0], [0], [1], [0, 0, 1, 1], [], []>, transpose_lhs_hint = false} : vector<256x512xf32>, vector<512x64xf32>, vector<256x64xf32> -> vector<256x64xf32>
      %slice3A_189 = vector.extract_strided_slice %concatenate3A {offsets = [0, 512], sizes = [256, 64], strides = [1, 1]} : vector<256x1024xf32> to vector<256x64xf32>
      %get3A_190 = arith.constant 8 : index
      %get3A_191 = arith.constant 0 : index
      %get3A_192 = arith.constant 0 : index
      %get3A_193 = arith.constant 0 : index
      %get3A_194 = vector.load %arg4[%get3A_190, %get3A_191, %get3A_192, %get3A_193] : memref<16x1x512x64xf32, #tpu.memory_space<vmem>>, vector<1x1x512x64xf32>
      %get3A_195 = vector.shape_cast %get3A_194 : vector<1x1x512x64xf32> to vector<512x64xf32>
      %dot_general3A_196 = arith.constant dense<0.000000e+00> : vector<256x512xf32>
      %dot_general3A_197 = tpu.matmul %slice3A_189, %get3A_195, %dot_general3A_196 {dimension_numbers = #tpu.dot_dimension_numbers<[1], [1], [0], [0], [0, 0, 1, 0], [], []>, transpose_lhs_hint = false} : vector<256x64xf32>, vector<512x64xf32>, vector<256x512xf32> -> vector<256x512xf32>
      %mul3A_198 = arith.constant 0.707106769 : f32
      %mul3A_199 = vector.broadcast %mul3A_198 : f32 to vector<256x512xf32>
      %mul3A_200 = arith.mulf %dot_general3A_197, %mul3A_199 : vector<256x512xf32>
      %erf3A_201 = math.erf %mul3A_200 : vector<256x512xf32>
      %mul3A_202 = arith.mulf %dot_general3A_197, %erf3A_201 : vector<256x512xf32>
      %add3A_203 = arith.addf %dot_general3A_197, %mul3A_202 : vector<256x512xf32>
      %get3A_204 = arith.constant 8 : index
      %get3A_205 = arith.constant 0 : index
      %get3A_206 = arith.constant 0 : index
      %get3A_207 = arith.constant 0 : index
      %get3A_208 = vector.load %arg5[%get3A_204, %get3A_205, %get3A_206, %get3A_207] : memref<16x1x512x64xf32, #tpu.memory_space<vmem>>, vector<1x1x512x64xf32>
      %get3A_209 = vector.shape_cast %get3A_208 : vector<1x1x512x64xf32> to vector<512x64xf32>
      %dot_general3A_210 = arith.constant dense<0.000000e+00> : vector<256x64xf32>
      %dot_general3A_211 = tpu.matmul %add3A_203, %get3A_209, %dot_general3A_210 {dimension_numbers = #tpu.dot_dimension_numbers<[1], [0], [0], [1], [0, 0, 1, 1], [], []>, transpose_lhs_hint = false} : vector<256x512xf32>, vector<512x64xf32>, vector<256x64xf32> -> vector<256x64xf32>
      %slice3A_212 = vector.extract_strided_slice %concatenate3A {offsets = [0, 576], sizes = [256, 64], strides = [1, 1]} : vector<256x1024xf32> to vector<256x64xf32>
      %get3A_213 = arith.constant 9 : index
      %get3A_214 = arith.constant 0 : index
      %get3A_215 = arith.constant 0 : index
      %get3A_216 = arith.constant 0 : index
      %get3A_217 = vector.load %arg4[%get3A_213, %get3A_214, %get3A_215, %get3A_216] : memref<16x1x512x64xf32, #tpu.memory_space<vmem>>, vector<1x1x512x64xf32>
      %get3A_218 = vector.shape_cast %get3A_217 : vector<1x1x512x64xf32> to vector<512x64xf32>
      %dot_general3A_219 = arith.constant dense<0.000000e+00> : vector<256x512xf32>
      %dot_general3A_220 = tpu.matmul %slice3A_212, %get3A_218, %dot_general3A_219 {dimension_numbers = #tpu.dot_dimension_numbers<[1], [1], [0], [0], [0, 0, 1, 0], [], []>, transpose_lhs_hint = false} : vector<256x64xf32>, vector<512x64xf32>, vector<256x512xf32> -> vector<256x512xf32>
      %mul3A_221 = arith.constant 0.707106769 : f32
      %mul3A_222 = vector.broadcast %mul3A_221 : f32 to vector<256x512xf32>
      %mul3A_223 = arith.mulf %dot_general3A_220, %mul3A_222 : vector<256x512xf32>
      %erf3A_224 = math.erf %mul3A_223 : vector<256x512xf32>
      %mul3A_225 = arith.mulf %dot_general3A_220, %erf3A_224 : vector<256x512xf32>
      %add3A_226 = arith.addf %dot_general3A_220, %mul3A_225 : vector<256x512xf32>
      %get3A_227 = arith.constant 9 : index
      %get3A_228 = arith.constant 0 : index
      %get3A_229 = arith.constant 0 : index
      %get3A_230 = arith.constant 0 : index
      %get3A_231 = vector.load %arg5[%get3A_227, %get3A_228, %get3A_229, %get3A_230] : memref<16x1x512x64xf32, #tpu.memory_space<vmem>>, vector<1x1x512x64xf32>
      %get3A_232 = vector.shape_cast %get3A_231 : vector<1x1x512x64xf32> to vector<512x64xf32>
      %dot_general3A_233 = arith.constant dense<0.000000e+00> : vector<256x64xf32>
      %dot_general3A_234 = tpu.matmul %add3A_226, %get3A_232, %dot_general3A_233 {dimension_numbers = #tpu.dot_dimension_numbers<[1], [0], [0], [1], [0, 0, 1, 1], [], []>, transpose_lhs_hint = false} : vector<256x512xf32>, vector<512x64xf32>, vector<256x64xf32> -> vector<256x64xf32>
      %slice3A_235 = vector.extract_strided_slice %concatenate3A {offsets = [0, 640], sizes = [256, 64], strides = [1, 1]} : vector<256x1024xf32> to vector<256x64xf32>
      %get3A_236 = arith.constant 10 : index
      %get3A_237 = arith.constant 0 : index
      %get3A_238 = arith.constant 0 : index
      %get3A_239 = arith.constant 0 : index
      %get3A_240 = vector.load %arg4[%get3A_236, %get3A_237, %get3A_238, %get3A_239] : memref<16x1x512x64xf32, #tpu.memory_space<vmem>>, vector<1x1x512x64xf32>
      %get3A_241 = vector.shape_cast %get3A_240 : vector<1x1x512x64xf32> to vector<512x64xf32>
      %dot_general3A_242 = arith.constant dense<0.000000e+00> : vector<256x512xf32>
      %dot_general3A_243 = tpu.matmul %slice3A_235, %get3A_241, %dot_general3A_242 {dimension_numbers = #tpu.dot_dimension_numbers<[1], [1], [0], [0], [0, 0, 1, 0], [], []>, transpose_lhs_hint = false} : vector<256x64xf32>, vector<512x64xf32>, vector<256x512xf32> -> vector<256x512xf32>
      %mul3A_244 = arith.constant 0.707106769 : f32
      %mul3A_245 = vector.broadcast %mul3A_244 : f32 to vector<256x512xf32>
      %mul3A_246 = arith.mulf %dot_general3A_243, %mul3A_245 : vector<256x512xf32>
      %erf3A_247 = math.erf %mul3A_246 : vector<256x512xf32>
      %mul3A_248 = arith.mulf %dot_general3A_243, %erf3A_247 : vector<256x512xf32>
      %add3A_249 = arith.addf %dot_general3A_243, %mul3A_248 : vector<256x512xf32>
      %get3A_250 = arith.constant 10 : index
      %get3A_251 = arith.constant 0 : index
      %get3A_252 = arith.constant 0 : index
      %get3A_253 = arith.constant 0 : index
      %get3A_254 = vector.load %arg5[%get3A_250, %get3A_251, %get3A_252, %get3A_253] : memref<16x1x512x64xf32, #tpu.memory_space<vmem>>, vector<1x1x512x64xf32>
      %get3A_255 = vector.shape_cast %get3A_254 : vector<1x1x512x64xf32> to vector<512x64xf32>
      %dot_general3A_256 = arith.constant dense<0.000000e+00> : vector<256x64xf32>
      %dot_general3A_257 = tpu.matmul %add3A_249, %get3A_255, %dot_general3A_256 {dimension_numbers = #tpu.dot_dimension_numbers<[1], [0], [0], [1], [0, 0, 1, 1], [], []>, transpose_lhs_hint = false} : vector<256x512xf32>, vector<512x64xf32>, vector<256x64xf32> -> vector<256x64xf32>
      %slice3A_258 = vector.extract_strided_slice %concatenate3A {offsets = [0, 704], sizes = [256, 64], strides = [1, 1]} : vector<256x1024xf32> to vector<256x64xf32>
      %get3A_259 = arith.constant 11 : index
      %get3A_260 = arith.constant 0 : index
      %get3A_261 = arith.constant 0 : index
      %get3A_262 = arith.constant 0 : index
      %get3A_263 = vector.load %arg4[%get3A_259, %get3A_260, %get3A_261, %get3A_262] : memref<16x1x512x64xf32, #tpu.memory_space<vmem>>, vector<1x1x512x64xf32>
      %get3A_264 = vector.shape_cast %get3A_263 : vector<1x1x512x64xf32> to vector<512x64xf32>
      %dot_general3A_265 = arith.constant dense<0.000000e+00> : vector<256x512xf32>
      %dot_general3A_266 = tpu.matmul %slice3A_258, %get3A_264, %dot_general3A_265 {dimension_numbers = #tpu.dot_dimension_numbers<[1], [1], [0], [0], [0, 0, 1, 0], [], []>, transpose_lhs_hint = false} : vector<256x64xf32>, vector<512x64xf32>, vector<256x512xf32> -> vector<256x512xf32>
      %mul3A_267 = arith.constant 0.707106769 : f32
      %mul3A_268 = vector.broadcast %mul3A_267 : f32 to vector<256x512xf32>
      %mul3A_269 = arith.mulf %dot_general3A_266, %mul3A_268 : vector<256x512xf32>
      %erf3A_270 = math.erf %mul3A_269 : vector<256x512xf32>
      %mul3A_271 = arith.mulf %dot_general3A_266, %erf3A_270 : vector<256x512xf32>
      %add3A_272 = arith.addf %dot_general3A_266, %mul3A_271 : vector<256x512xf32>
      %get3A_273 = arith.constant 11 : index
      %get3A_274 = arith.constant 0 : index
      %get3A_275 = arith.constant 0 : index
      %get3A_276 = arith.constant 0 : index
      %get3A_277 = vector.load %arg5[%get3A_273, %get3A_274, %get3A_275, %get3A_276] : memref<16x1x512x64xf32, #tpu.memory_space<vmem>>, vector<1x1x512x64xf32>
      %get3A_278 = vector.shape_cast %get3A_277 : vector<1x1x512x64xf32> to vector<512x64xf32>
      %dot_general3A_279 = arith.constant dense<0.000000e+00> : vector<256x64xf32>
      %dot_general3A_280 = tpu.matmul %add3A_272, %get3A_278, %dot_general3A_279 {dimension_numbers = #tpu.dot_dimension_numbers<[1], [0], [0], [1], [0, 0, 1, 1], [], []>, transpose_lhs_hint = false} : vector<256x512xf32>, vector<512x64xf32>, vector<256x64xf32> -> vector<256x64xf32>
      %slice3A_281 = vector.extract_strided_slice %concatenate3A {offsets = [0, 768], sizes = [256, 64], strides = [1, 1]} : vector<256x1024xf32> to vector<256x64xf32>
      %get3A_282 = arith.constant 12 : index
      %get3A_283 = arith.constant 0 : index
      %get3A_284 = arith.constant 0 : index
      %get3A_285 = arith.constant 0 : index
      %get3A_286 = vector.load %arg4[%get3A_282, %get3A_283, %get3A_284, %get3A_285] : memref<16x1x512x64xf32, #tpu.memory_space<vmem>>, vector<1x1x512x64xf32>
      %get3A_287 = vector.shape_cast %get3A_286 : vector<1x1x512x64xf32> to vector<512x64xf32>
      %dot_general3A_288 = arith.constant dense<0.000000e+00> : vector<256x512xf32>
      %dot_general3A_289 = tpu.matmul %slice3A_281, %get3A_287, %dot_general3A_288 {dimension_numbers = #tpu.dot_dimension_numbers<[1], [1], [0], [0], [0, 0, 1, 0], [], []>, transpose_lhs_hint = false} : vector<256x64xf32>, vector<512x64xf32>, vector<256x512xf32> -> vector<256x512xf32>
      %mul3A_290 = arith.constant 0.707106769 : f32
      %mul3A_291 = vector.broadcast %mul3A_290 : f32 to vector<256x512xf32>
      %mul3A_292 = arith.mulf %dot_general3A_289, %mul3A_291 : vector<256x512xf32>
      %erf3A_293 = math.erf %mul3A_292 : vector<256x512xf32>
      %mul3A_294 = arith.mulf %dot_general3A_289, %erf3A_293 : vector<256x512xf32>
      %add3A_295 = arith.addf %dot_general3A_289, %mul3A_294 : vector<256x512xf32>
      %get3A_296 = arith.constant 12 : index
      %get3A_297 = arith.constant 0 : index
      %get3A_298 = arith.constant 0 : index
      %get3A_299 = arith.constant 0 : index
      %get3A_300 = vector.load %arg5[%get3A_296, %get3A_297, %get3A_298, %get3A_299] : memref<16x1x512x64xf32, #tpu.memory_space<vmem>>, vector<1x1x512x64xf32>
      %get3A_301 = vector.shape_cast %get3A_300 : vector<1x1x512x64xf32> to vector<512x64xf32>
      %dot_general3A_302 = arith.constant dense<0.000000e+00> : vector<256x64xf32>
      %dot_general3A_303 = tpu.matmul %add3A_295, %get3A_301, %dot_general3A_302 {dimension_numbers = #tpu.dot_dimension_numbers<[1], [0], [0], [1], [0, 0, 1, 1], [], []>, transpose_lhs_hint = false} : vector<256x512xf32>, vector<512x64xf32>, vector<256x64xf32> -> vector<256x64xf32>
      %slice3A_304 = vector.extract_strided_slice %concatenate3A {offsets = [0, 832], sizes = [256, 64], strides = [1, 1]} : vector<256x1024xf32> to vector<256x64xf32>
      %get3A_305 = arith.constant 13 : index
      %get3A_306 = arith.constant 0 : index
      %get3A_307 = arith.constant 0 : index
      %get3A_308 = arith.constant 0 : index
      %get3A_309 = vector.load %arg4[%get3A_305, %get3A_306, %get3A_307, %get3A_308] : memref<16x1x512x64xf32, #tpu.memory_space<vmem>>, vector<1x1x512x64xf32>
      %get3A_310 = vector.shape_cast %get3A_309 : vector<1x1x512x64xf32> to vector<512x64xf32>
      %dot_general3A_311 = arith.constant dense<0.000000e+00> : vector<256x512xf32>
      %dot_general3A_312 = tpu.matmul %slice3A_304, %get3A_310, %dot_general3A_311 {dimension_numbers = #tpu.dot_dimension_numbers<[1], [1], [0], [0], [0, 0, 1, 0], [], []>, transpose_lhs_hint = false} : vector<256x64xf32>, vector<512x64xf32>, vector<256x512xf32> -> vector<256x512xf32>
      %mul3A_313 = arith.constant 0.707106769 : f32
      %mul3A_314 = vector.broadcast %mul3A_313 : f32 to vector<256x512xf32>
      %mul3A_315 = arith.mulf %dot_general3A_312, %mul3A_314 : vector<256x512xf32>
      %erf3A_316 = math.erf %mul3A_315 : vector<256x512xf32>
      %mul3A_317 = arith.mulf %dot_general3A_312, %erf3A_316 : vector<256x512xf32>
      %add3A_318 = arith.addf %dot_general3A_312, %mul3A_317 : vector<256x512xf32>
      %get3A_319 = arith.constant 13 : index
      %get3A_320 = arith.constant 0 : index
      %get3A_321 = arith.constant 0 : index
      %get3A_322 = arith.constant 0 : index
      %get3A_323 = vector.load %arg5[%get3A_319, %get3A_320, %get3A_321, %get3A_322] : memref<16x1x512x64xf32, #tpu.memory_space<vmem>>, vector<1x1x512x64xf32>
      %get3A_324 = vector.shape_cast %get3A_323 : vector<1x1x512x64xf32> to vector<512x64xf32>
      %dot_general3A_325 = arith.constant dense<0.000000e+00> : vector<256x64xf32>
      %dot_general3A_326 = tpu.matmul %add3A_318, %get3A_324, %dot_general3A_325 {dimension_numbers = #tpu.dot_dimension_numbers<[1], [0], [0], [1], [0, 0, 1, 1], [], []>, transpose_lhs_hint = false} : vector<256x512xf32>, vector<512x64xf32>, vector<256x64xf32> -> vector<256x64xf32>
      %slice3A_327 = vector.extract_strided_slice %concatenate3A {offsets = [0, 896], sizes = [256, 64], strides = [1, 1]} : vector<256x1024xf32> to vector<256x64xf32>
      %get3A_328 = arith.constant 14 : index
      %get3A_329 = arith.constant 0 : index
      %get3A_330 = arith.constant 0 : index
      %get3A_331 = arith.constant 0 : index
      %get3A_332 = vector.load %arg4[%get3A_328, %get3A_329, %get3A_330, %get3A_331] : memref<16x1x512x64xf32, #tpu.memory_space<vmem>>, vector<1x1x512x64xf32>
      %get3A_333 = vector.shape_cast %get3A_332 : vector<1x1x512x64xf32> to vector<512x64xf32>
      %dot_general3A_334 = arith.constant dense<0.000000e+00> : vector<256x512xf32>
      %dot_general3A_335 = tpu.matmul %slice3A_327, %get3A_333, %dot_general3A_334 {dimension_numbers = #tpu.dot_dimension_numbers<[1], [1], [0], [0], [0, 0, 1, 0], [], []>, transpose_lhs_hint = false} : vector<256x64xf32>, vector<512x64xf32>, vector<256x512xf32> -> vector<256x512xf32>
      %mul3A_336 = arith.constant 0.707106769 : f32
      %mul3A_337 = vector.broadcast %mul3A_336 : f32 to vector<256x512xf32>
      %mul3A_338 = arith.mulf %dot_general3A_335, %mul3A_337 : vector<256x512xf32>
      %erf3A_339 = math.erf %mul3A_338 : vector<256x512xf32>
      %mul3A_340 = arith.mulf %dot_general3A_335, %erf3A_339 : vector<256x512xf32>
      %add3A_341 = arith.addf %dot_general3A_335, %mul3A_340 : vector<256x512xf32>
      %get3A_342 = arith.constant 14 : index
      %get3A_343 = arith.constant 0 : index
      %get3A_344 = arith.constant 0 : index
      %get3A_345 = arith.constant 0 : index
      %get3A_346 = vector.load %arg5[%get3A_342, %get3A_343, %get3A_344, %get3A_345] : memref<16x1x512x64xf32, #tpu.memory_space<vmem>>, vector<1x1x512x64xf32>
      %get3A_347 = vector.shape_cast %get3A_346 : vector<1x1x512x64xf32> to vector<512x64xf32>
      %dot_general3A_348 = arith.constant dense<0.000000e+00> : vector<256x64xf32>
      %dot_general3A_349 = tpu.matmul %add3A_341, %get3A_347, %dot_general3A_348 {dimension_numbers = #tpu.dot_dimension_numbers<[1], [0], [0], [1], [0, 0, 1, 1], [], []>, transpose_lhs_hint = false} : vector<256x512xf32>, vector<512x64xf32>, vector<256x64xf32> -> vector<256x64xf32>
      %slice3A_350 = vector.extract_strided_slice %concatenate3A {offsets = [0, 960], sizes = [256, 64], strides = [1, 1]} : vector<256x1024xf32> to vector<256x64xf32>
      %get3A_351 = arith.constant 15 : index
      %get3A_352 = arith.constant 0 : index
      %get3A_353 = arith.constant 0 : index
      %get3A_354 = arith.constant 0 : index
      %get3A_355 = vector.load %arg4[%get3A_351, %get3A_352, %get3A_353, %get3A_354] : memref<16x1x512x64xf32, #tpu.memory_space<vmem>>, vector<1x1x512x64xf32>
      %get3A_356 = vector.shape_cast %get3A_355 : vector<1x1x512x64xf32> to vector<512x64xf32>
      %dot_general3A_357 = arith.constant dense<0.000000e+00> : vector<256x512xf32>
      %dot_general3A_358 = tpu.matmul %slice3A_350, %get3A_356, %dot_general3A_357 {dimension_numbers = #tpu.dot_dimension_numbers<[1], [1], [0], [0], [0, 0, 1, 0], [], []>, transpose_lhs_hint = false} : vector<256x64xf32>, vector<512x64xf32>, vector<256x512xf32> -> vector<256x512xf32>
      %mul3A_359 = arith.constant 0.707106769 : f32
      %mul3A_360 = vector.broadcast %mul3A_359 : f32 to vector<256x512xf32>
      %mul3A_361 = arith.mulf %dot_general3A_358, %mul3A_360 : vector<256x512xf32>
      %erf3A_362 = math.erf %mul3A_361 : vector<256x512xf32>
      %mul3A_363 = arith.mulf %dot_general3A_358, %erf3A_362 : vector<256x512xf32>
      %add3A_364 = arith.addf %dot_general3A_358, %mul3A_363 : vector<256x512xf32>
      %get3A_365 = arith.constant 15 : index
      %get3A_366 = arith.constant 0 : index
      %get3A_367 = arith.constant 0 : index
      %get3A_368 = arith.constant 0 : index
      %get3A_369 = vector.load %arg5[%get3A_365, %get3A_366, %get3A_367, %get3A_368] : memref<16x1x512x64xf32, #tpu.memory_space<vmem>>, vector<1x1x512x64xf32>
      %get3A_370 = vector.shape_cast %get3A_369 : vector<1x1x512x64xf32> to vector<512x64xf32>
      %dot_general3A_371 = arith.constant dense<0.000000e+00> : vector<256x64xf32>
      %dot_general3A_372 = tpu.matmul %add3A_364, %get3A_370, %dot_general3A_371 {dimension_numbers = #tpu.dot_dimension_numbers<[1], [0], [0], [1], [0, 0, 1, 1], [], []>, transpose_lhs_hint = false} : vector<256x512xf32>, vector<512x64xf32>, vector<256x64xf32> -> vector<256x64xf32>
      %concatenate3A_373 = tpu.concatenate %dot_general3A_27, %dot_general3A_50, %dot_general3A_73, %dot_general3A_96, %dot_general3A_119, %dot_general3A_142, %dot_general3A_165, %dot_general3A_188, %dot_general3A_211, %dot_general3A_234, %dot_general3A_257, %dot_general3A_280, %dot_general3A_303, %dot_general3A_326, %dot_general3A_349, %dot_general3A_372 in 1 : vector<256x64xf32>, vector<256x64xf32>, vector<256x64xf32>, vector<256x64xf32>, vector<256x64xf32>, vector<256x64xf32>, vector<256x64xf32>, vector<256x64xf32>, vector<256x64xf32>, vector<256x64xf32>, vector<256x64xf32>, vector<256x64xf32>, vector<256x64xf32>, vector<256x64xf32>, vector<256x64xf32>, vector<256x64xf32> -> vector<256x1024xf32>
      %slice3A_374 = vector.extract_strided_slice %concatenate3A_373 {offsets = [0, 0], sizes = [256, 512], strides = [1, 1]} : vector<256x1024xf32> to vector<256x512xf32>
      %bitcast_convert_type3A_375 = tpu.bitcast %slice3A_374 : vector<256x512xf32> -> vector<256x512xi32>
      %slice3A_376 = vector.extract_strided_slice %concatenate3A_373 {offsets = [0, 512], sizes = [256, 512], strides = [1, 1]} : vector<256x1024xf32> to vector<256x512xf32>
      %bitcast_convert_type3A_377 = tpu.bitcast %slice3A_376 : vector<256x512xf32> -> vector<256x512xi32>
      %add3A_378 = arith.constant 32768 : i32
      %add3A_379 = vector.broadcast %add3A_378 : i32 to vector<256x512xi32>
      %add3A_380 = arith.addi %bitcast_convert_type3A_375, %add3A_379 : vector<256x512xi32>
      %and3A_381 = arith.constant -65536 : i32
      %and3A_382 = vector.broadcast %and3A_381 : i32 to vector<256x512xi32>
      %and3A_383 = arith.andi %add3A_380, %and3A_382 : vector<256x512xi32>
      %add3A_384 = arith.constant 32768 : i32
      %add3A_385 = vector.broadcast %add3A_384 : i32 to vector<256x512xi32>
      %add3A_386 = arith.addi %bitcast_convert_type3A_377, %add3A_385 : vector<256x512xi32>
      %shift_right_logical3A = arith.constant 16 : i32
      %shift_right_logical3A_387 = vector.broadcast %shift_right_logical3A : i32 to vector<256x512xi32>
      %shift_right_logical3A_388 = arith.shrui %add3A_386, %shift_right_logical3A_387 : vector<256x512xi32>
      %or3A = arith.ori %and3A_383, %shift_right_logical3A_388 : vector<256x512xi32>
      %swap3A = arith.constant 0 : index
      %swap3A_389 = arith.constant 0 : index
      %swap3A_390 = vector.load %arg6[%swap3A, %swap3A_389] : memref<256x512xi32, #tpu.memory_space<vmem>>, vector<256x512xi32>
      tpu.vector_store %arg6[%swap3A, %swap3A_389], %or3A {strides = array<i32>} : memref<256x512xi32, #tpu.memory_space<vmem>>, vector<256x512xi32>,
    } else {
    }
    return
  }
  func.func @transform_0(%arg0: i32, %arg1: memref<40xi32, #tpu.memory_space<smem>>, %arg2: memref<1xi32, #tpu.memory_space<smem>>) -> (i32, i32) {
    %get3A = arith.constant 0 : index
    %get3A_0 = memref.load %arg2[%get3A] : memref<1xi32, #tpu.memory_space<smem>>
    %sub3A = arith.constant 1 : i32
    %sub3A_1 = arith.subi %get3A_0, %sub3A : i32
    %min3A = arith.minsi %arg0, %sub3A_1 : i32
    %c0_i32 = arith.constant 0 : i32
    %c0_i32_2 = arith.constant 0 : i32
    return %min3A, %c0_i32 : i32, i32
  }
  func.func @transform_1(%arg0: i32, %arg1: memref<40xi32, #tpu.memory_space<smem>>, %arg2: memref<1xi32, #tpu.memory_space<smem>>) -> (i32, i32, i32, i32) {
    %get3A = arith.index_cast %arg0 : i32 to index
    %get3A_0 = memref.load %arg1[%get3A] : memref<40xi32, #tpu.memory_space<smem>>
    %c0_i32 = arith.constant 0 : i32
    %c0_i32_1 = arith.constant 0 : i32
    %c0_i32_2 = arith.constant 0 : i32
    %c0_i32_3 = arith.constant 0 : i32
    return %c0_i32, %get3A_0, %c0_i32_1, %c0_i32_2 : i32, i32, i32, i32
  }
  func.func @transform_2(%arg0: i32, %arg1: memref<40xi32, #tpu.memory_space<smem>>, %arg2: memref<1xi32, #tpu.memory_space<smem>>) -> (i32, i32, i32, i32) {
    %get3A = arith.index_cast %arg0 : i32 to index
    %get3A_0 = memref.load %arg1[%get3A] : memref<40xi32, #tpu.memory_space<smem>>
    %c0_i32 = arith.constant 0 : i32
    %c0_i32_1 = arith.constant 0 : i32
    %c0_i32_2 = arith.constant 0 : i32
    %c0_i32_3 = arith.constant 0 : i32
    return %c0_i32, %get3A_0, %c0_i32_1, %c0_i32_2 : i32, i32, i32, i32
  }
  func.func @transform_3(%arg0: i32, %arg1: memref<40xi32, #tpu.memory_space<smem>>, %arg2: memref<1xi32, #tpu.memory_space<smem>>) -> (i32, i32) {
    %get3A = arith.constant 0 : index
    %get3A_0 = memref.load %arg2[%get3A] : memref<1xi32, #tpu.memory_space<smem>>
    %sub3A = arith.constant 1 : i32
    %sub3A_1 = arith.subi %get3A_0, %sub3A : i32
    %min3A = arith.minsi %arg0, %sub3A_1 : i32
    %c0_i32 = arith.constant 0 : i32
    %c0_i32_2 = arith.constant 0 : i32
    return %min3A, %c0_i32 : i32, i32
  }
}

module attributes {stable_mosaic.version = 14 : i64} {
  func.func @_combine_kernel(%arg0: i32, %arg1: memref<256x512xi32, #tpu.memory_space<vmem>>, %arg2: memref<256x512xi32, #tpu.memory_space<vmem>>, %arg3: memref<2x1x256xf32, #tpu.memory_space<vmem>>, %arg4: memref<1024x1024xf32, #tpu.memory_space<vmem>>, %arg5: memref<256x1024xf32, #tpu.memory_space<vmem>>) attributes {dimension_semantics = [#tpu.dimension_semantics<arbitrary>], iteration_bounds = array<i64: 8>, scalar_prefetch = 0 : i64, scratch_operands = 0 : i64, tpu.core_type = #tpu.core_type<tc>, window_params = [{transform_indices = @transform_0, window_bounds = array<i64: 256, 512>}, {transform_indices = @transform_1, window_bounds = array<i64: 256, 512>}, {transform_indices = @transform_2, window_bounds = array<i64: 2, 1, 256>}, {pipeline_mode = #tpu.pipeline_mode<synchronous>, transform_indices = @transform_3, window_bounds = array<i64: 1024, 1024>}, {transform_indices = @transform_4, window_bounds = array<i64: 256, 1024>}]} {
    %get3A = arith.constant 0 : index
    %get3A_0 = arith.constant 0 : index
    %get3A_1 = arith.constant 0 : index
    %get3A_2 = vector.load %arg3[%get3A, %get3A_0, %get3A_1] : memref<2x1x256xf32, #tpu.memory_space<vmem>>, vector<1x1x256xf32>
    %get3A_3 = vector.shape_cast %get3A_2 : vector<1x1x256xf32> to vector<256xf32>
    %reshape3A = vector.shape_cast %get3A_3 : vector<256xf32> to vector<256x1xf32>
    %get3A_4 = arith.constant 1 : index
    %get3A_5 = arith.constant 0 : index
    %get3A_6 = arith.constant 0 : index
    %get3A_7 = vector.load %arg3[%get3A_4, %get3A_5, %get3A_6] : memref<2x1x256xf32, #tpu.memory_space<vmem>>, vector<1x1x256xf32>
    %get3A_8 = vector.shape_cast %get3A_7 : vector<1x1x256xf32> to vector<256xf32>
    %reshape3A_9 = vector.shape_cast %get3A_8 : vector<256xf32> to vector<256x1xf32>
    %get3A_10 = arith.constant 0 : index
    %get3A_11 = arith.constant 0 : index
    %get3A_12 = vector.load %arg1[%get3A_10, %get3A_11] : memref<256x512xi32, #tpu.memory_space<vmem>>, vector<256x512xi32>
    %and3A = arith.constant -65536 : i32
    %and3A_13 = vector.broadcast %and3A : i32 to vector<256x512xi32>
    %and3A_14 = arith.andi %get3A_12, %and3A_13 : vector<256x512xi32>
    %bitcast_convert_type3A = tpu.bitcast %and3A_14 : vector<256x512xi32> -> vector<256x512xf32>
    %shift_left3A = arith.constant 16 : i32
    %shift_left3A_15 = vector.broadcast %shift_left3A : i32 to vector<256x512xi32>
    %shift_left3A_16 = arith.shli %get3A_12, %shift_left3A_15 : vector<256x512xi32>
    %bitcast_convert_type3A_17 = tpu.bitcast %shift_left3A_16 : vector<256x512xi32> -> vector<256x512xf32>
    %concatenate3A = tpu.concatenate %bitcast_convert_type3A, %bitcast_convert_type3A_17 in 1 : vector<256x512xf32>, vector<256x512xf32> -> vector<256x1024xf32>
    %mul3A = vector.broadcast %reshape3A : vector<256x1xf32> to vector<256x1024xf32>
    %mul3A_18 = arith.mulf %mul3A, %concatenate3A : vector<256x1024xf32>
    %get3A_19 = arith.constant 0 : index
    %get3A_20 = arith.constant 0 : index
    %get3A_21 = vector.load %arg2[%get3A_19, %get3A_20] : memref<256x512xi32, #tpu.memory_space<vmem>>, vector<256x512xi32>
    %and3A_22 = arith.constant -65536 : i32
    %and3A_23 = vector.broadcast %and3A_22 : i32 to vector<256x512xi32>
    %and3A_24 = arith.andi %get3A_21, %and3A_23 : vector<256x512xi32>
    %bitcast_convert_type3A_25 = tpu.bitcast %and3A_24 : vector<256x512xi32> -> vector<256x512xf32>
    %shift_left3A_26 = arith.constant 16 : i32
    %shift_left3A_27 = vector.broadcast %shift_left3A_26 : i32 to vector<256x512xi32>
    %shift_left3A_28 = arith.shli %get3A_21, %shift_left3A_27 : vector<256x512xi32>
    %bitcast_convert_type3A_29 = tpu.bitcast %shift_left3A_28 : vector<256x512xi32> -> vector<256x512xf32>
    %concatenate3A_30 = tpu.concatenate %bitcast_convert_type3A_25, %bitcast_convert_type3A_29 in 1 : vector<256x512xf32>, vector<256x512xf32> -> vector<256x1024xf32>
    %mul3A_31 = vector.broadcast %reshape3A_9 : vector<256x1xf32> to vector<256x1024xf32>
    %mul3A_32 = arith.mulf %mul3A_31, %concatenate3A_30 : vector<256x1024xf32>
    %add3A = arith.addf %mul3A_18, %mul3A_32 : vector<256x1024xf32>
    %get3A_33 = arith.constant 0 : index
    %get3A_34 = arith.constant 0 : index
    %get3A_35 = vector.load %arg4[%get3A_33, %get3A_34] : memref<1024x1024xf32, #tpu.memory_space<vmem>>, vector<1024x1024xf32>
    %dot_general3A = arith.constant dense<0.000000e+00> : vector<256x1024xf32>
    %dot_general3A_36 = tpu.matmul %add3A, %get3A_35, %dot_general3A {dimension_numbers = #tpu.dot_dimension_numbers<[1], [1], [0], [0], [0, 0, 1, 0], [], []>, transpose_lhs_hint = false} : vector<256x1024xf32>, vector<1024x1024xf32>, vector<256x1024xf32> -> vector<256x1024xf32>
    %swap3A = arith.constant 0 : index
    %swap3A_37 = arith.constant 0 : index
    %swap3A_38 = vector.load %arg5[%swap3A, %swap3A_37] : memref<256x1024xf32, #tpu.memory_space<vmem>>, vector<256x1024xf32>
    tpu.vector_store %arg5[%swap3A, %swap3A_37], %dot_general3A_36 {strides = array<i32>} : memref<256x1024xf32, #tpu.memory_space<vmem>>, vector<256x1024xf32>,
    return
  }
  func.func @transform_0(%arg0: i32) -> (i32, i32) {
    %c0_i32 = arith.constant 0 : i32
    %c0_i32_0 = arith.constant 0 : i32
    return %arg0, %c0_i32 : i32, i32
  }
  func.func @transform_1(%arg0: i32) -> (i32, i32) {
    %add3A = arith.constant 8 : i32
    %add3A_0 = arith.addi %arg0, %add3A : i32
    %c0_i32 = arith.constant 0 : i32
    %c0_i32_1 = arith.constant 0 : i32
    return %add3A_0, %c0_i32 : i32, i32
  }
  func.func @transform_2(%arg0: i32) -> (i32, i32, i32) {
    %c0_i32 = arith.constant 0 : i32
    %c0_i32_0 = arith.constant 0 : i32
    %c0_i32_1 = arith.constant 0 : i32
    return %c0_i32, %c0_i32_0, %arg0 : i32, i32, i32
  }
  func.func @transform_3(%arg0: i32) -> (i32, i32) {
    %c0_i32 = arith.constant 0 : i32
    %c0_i32_0 = arith.constant 0 : i32
    %c0_i32_1 = arith.constant 0 : i32
    return %c0_i32, %c0_i32_0 : i32, i32
  }
  func.func @transform_4(%arg0: i32) -> (i32, i32) {
    %c0_i32 = arith.constant 0 : i32
    %c0_i32_0 = arith.constant 0 : i32
    return %arg0, %c0_i32 : i32, i32
  }
}

</mosaic_0001>

<sc_bundles>
// kernel: kernel.10.cloned.1.call-start
scs
__scs_entry_jumppad:
0x0: {  	(pc) =	sbr.rel $0x88, $3  }
0x1: {  	(tag) =	ssettag $0x0;
	lr =	simm.s32 $0x1  }
0x2: {  	[smem:$0x3F9B] =	sst lr;
	_ =	strace $0xD0000000  }
0x3: {  	_ = 	snop  }
0x4: {  	_ = 	snop  }
0x5: {  	_ = 	snop  }
0x6: {  	_ = 	snop  }
0x7: {  	_ = 	snop  }
__scs_overlays_trampoline_lowered:
0x8: {  	[smem:$0x3FAA] =	sst s0  }
0x9: {  	[smem:$0x3FAB] =	sst s1  }
0xa: {  	[smem:$0x3FAC] =	sst s2  }
0xb: {  	[smem:$0x3FAD] =	sst s3  }
0xc: {  	[smem:$0x3FAE] =	sst s4  }
0xd: {  	[smem:$0x3FAF] =	sst s5  }
0xe: {  	[smem:$0x3FB0] =	sst s6  }
0xf: {  	[smem:$0x3FB1] =	sst s7  }
0x10: {  	[smem:$0x3FB2] =	sst s8  }
0x11: {  	[smem:$0x3FB3] =	sst s9;
	s0 =	simm.s32 @!p0 $0x0  }
0x12: {  	s1 =	sld [smem:$0x3F99];
	s0 =	simm.s32 @p0 $0x1  }
0x13: {  	[smem:$0x3FB4] =	sst s0;
	s0 =	simm.s32 @!p1 $0x0  }
0x14: {  	s2 =	sld [smem:$0x3F98];
	s0 =	simm.s32 @p1 $0x1  }
0x15: {  	[smem:$0x3FB5] =	sst s0;
	s0 =	simm.s32 @!p2 $0x0  }
0x16: {  	s3 =	sld [smem:$0x3FDB];
	s0 =	simm.s32 @p2 $0x1  }
0x17: {  	s4 =	simm.s32 $0x1BF5;
	[smem:$0x3FB7] =	sst s0  }
0x18: {  	s0 =	sld [smem:$0x3F9A];
	_ =	swait.ge [sflag:s4], $0x0  }
0x19: {  	s7 =	sld [smem:$0x3F9B]  }
0x1a: {  	s8 =	sadd.s32 $0xFFFFE003, lr  }
0x1b: {  	s9 =	sadd.s32 $0xFFFFFEF7, lr;
	s5 =	simm.s32 $0xFFFFFFFF;
	p2 =	slt.u32 s8, $0xFFFFF086  }
0x1c: {  	p1 =	slt.u32 s9, $0xF7A;
	s5 =	simm.s32 @!p2 $0x0  }
0x1d: {  	s5 =	simm.s32 @p1 $0x1;
	p0 =	seq.s32 s7, s2  }
0x1e: {  	s7 =	smul.u32 @!p0 $0xF7A, s2;
	p2 =	seq.s32 @!p0 s5, $0x0  }
0x1f: {  	s9 =	smul.u32 $0xF7A, s1;
	s8 =	simm.s32 @!p0 $0x1BF5;
	p2 =	por !p2, p0  }
0x20: {  	[sflag:s8] =	ssyncset.s32 @!p0 $0xFFFFF086;
	s6 =	sadd.s32 @!p0 s3, s7;
	s7 =	simm.s32 @!p0 $0x108  }
0x21: {  	s3 =	sadd.s32 s3, s9;
	s6 =	sadd.s32 @!p0 $0x88, s6;
	s7 =	simm.s32 @p2 $0x1082  }
0x22: {  	[simem:s7], [sflag:s8] =	dma.local @!p0 [hbm:s6], $0xF7A  }
0x23: {  	s9 =	sor.u32 $0xD0000000, s2;
	s6 =	simm.s32 $0x108;
	_ =	swait.ge @!p0 [sflag:s8], $0x0  }
0x24: {  	s3 =	sadd.s32 $0x88, s3;
	s6 =	simm.s32 @!p1 $0x1082;
	[sflag:s4] =	ssyncset.s32 $0xFFFFF086  }
0x25: {  	[simem:s6], [sflag:s4] =	dma.local [hbm:s3], $0xF7A  }
0x26: {  	[smem:$0x3F9B] =	sst s1;
	(tag) =	ssettag s2;
	_ =	strace s9  }
0x27: {  	s1 =	sld [smem:$0x3FAB]  }
0x28: {  	s2 =	sld [smem:$0x3FAC]  }
0x29: {  	s4 =	sld [smem:$0x3FAE]  }
0x2a: {  	p0 =	seq.s32 s5, $0x0;
	s5 =	sld [smem:$0x3FAF]  }
0x2b: {  	s6 =	sld [smem:$0x3FB0]  }
0x2c: {  	s7 =	sld [smem:$0x3FB1]  }
0x2d: {  	s3 =	simm.s32 $0x108;
	s8 =	sld [smem:$0x3FB2]  }
0x2e: {  	s3 =	simm.s32 @!p0 $0x1082;
	s9 =	sld [smem:$0x3FB3]  }
0x2f: {  	lr =	sadd.s32 s0, s3;
	s0 =	sld [smem:$0x3FAA]  }
0x30: {  	s3 =	sld [smem:$0x3FAD]  }
0x31: {  	[smem:$0x3FB6] =	sst s10  }
0x32: {  	s10 =	sld [smem:$0x3FB4];
	_ =	sdelay $0x3  }
0x33: {  	p0 =	seq.s32 s10, $0x1;
	s10 =	sld [smem:$0x3FB6];
	_ =	sdelay $0x3  }
0x34: {  	[smem:$0x3FB6] =	sst s10  }
0x35: {  	s10 =	sld [smem:$0x3FB5];
	_ =	sdelay $0x3  }
0x36: {  	p1 =	seq.s32 s10, $0x1;
	s10 =	sld [smem:$0x3FB6];
	_ =	sdelay $0x3  }
0x37: {  	[smem:$0x3FB6] =	sst s10  }
0x38: {  	s10 =	sld [smem:$0x3FB7]  }
0x39: {  	_ = 	snop;
	(pc) =	sbr.ind lr, $3  }
0x3a: {  	_ = 	snop  }
0x3b: {  	_ = 	snop  }
0x3c: {  	p2 =	seq.s32 s10, $0x1;
	s10 =	sld [smem:$0x3FB6]  }
0x3d: {  	_ =	shalt  }
0x3e: {  	_ =	shalt  }
0x3f: {  	_ =	shalt  }
0x40: {  	_ =	shalt  }
0x41: {  	_ =	shalt  }
0x42: {  	_ =	shalt  }
0x43: {  	_ =	shalt  }
0x44: {  	_ =	shalt  }
0x45: {  	_ =	shalt  }
0x46: {  	_ =	shalt  }
0x47: {  	_ =	shalt  }
0x48: {  	_ =	shalt  }
0x49: {  	_ =	shalt  }
0x4a: {  	_ =	shalt  }
0x4b: {  	_ =	shalt  }
0x4c: {  	_ =	shalt  }
0x4d: {  	_ =	shalt  }
0x4e: {  	_ =	shalt  }
0x4f: {  	_ =	shalt  }
0x50: {  	_ =	shalt  }
0x51: {  	_ =	shalt  }
0x52: {  	_ =	shalt  }
0x53: {  	_ =	shalt  }
0x54: {  	_ =	shalt  }
0x55: {  	_ =	shalt  }
0x56: {  	_ =	shalt  }
0x57: {  	_ =	shalt  }
0x58: {  	_ =	shalt  }
0x59: {  	_ =	shalt  }
0x5a: {  	_ =	shalt  }
0x5b: {  	_ =	shalt  }
0x5c: {  	_ =	shalt  }
0x5d: {  	_ =	shalt  }
0x5e: {  	_ =	shalt  }
0x5f: {  	_ =	shalt  }
0x60: {  	_ =	shalt  }
0x61: {  	_ =	shalt  }
0x62: {  	_ =	shalt  }
0x63: {  	_ =	shalt  }
0x64: {  	_ =	shalt  }
0x65: {  	_ =	shalt  }
0x66: {  	_ =	shalt  }
0x67: {  	_ =	shalt  }
0x68: {  	_ =	shalt  }
0x69: {  	_ =	shalt  }
0x6a: {  	_ =	shalt  }
0x6b: {  	_ =	shalt  }
0x6c: {  	_ =	shalt  }
0x6d: {  	_ =	shalt  }
0x6e: {  	_ =	shalt  }
0x6f: {  	_ =	shalt  }
0x70: {  	_ =	shalt  }
0x71: {  	_ =	shalt  }
0x72: {  	_ =	shalt  }
0x73: {  	_ =	shalt  }
0x74: {  	_ =	shalt  }
0x75: {  	_ =	shalt  }
0x76: {  	_ =	shalt  }
0x77: {  	_ =	shalt  }
0x78: {  	_ =	shalt  }
0x79: {  	_ =	shalt  }
0x7a: {  	_ =	shalt  }
0x7b: {  	_ =	shalt  }
0x7c: {  	_ =	shalt  }
0x7d: {  	_ =	shalt  }
0x7e: {  	_ =	shalt  }
0x7f: {  	_ =	shalt  }
0x80: {  	_ =	shalt  }
0x81: {  	_ =	shalt  }
0x82: {  	_ =	shalt  }
0x83: {  	_ =	shalt  }
0x84: {  	_ =	shalt  }
0x85: {  	_ =	shalt  }
0x86: {  	_ =	shalt  }
0x87: {  	_ =	shalt  }
.Lfunc_end0:
.L_simem_size_0:
called_computation.1_lowered:
.L_overlay_start_0:
0x88: {  	s2 =	sld [smem:$0x3FD9]  }
0x89: {  	s3 =	sld [smem:$0x3FFE];
	_ =	sdelay $0x1  }
0x8a: {  	s1 =	srdreg.scid  }
0x8b: {  	s0 =	sand.u32 $0x1, s1  }
0x8c: {  	s17 =	sshll.u32 s0, $0xA;
	s2 =	sadd.s32 s3, s2  }
0x8d: {  	s2 =	sadd.s32 s2, s17  }
0x8e: {  	[smem:$0x3FC2] =	sst s2  }
0x8f: {  	_ = 	snop  }
0x90: {  	s2 =	sld [smem:$0x3FD0];
	(tm) =	ssettm $0x1  }
0x91: {  	s18 =	sld [smem:$0x3FFB];
	_ =	sdelay $0x3  }
0x92: {  	_ =	strace s18  }
0x93: {  	s3 =	sld [smem:$0x3FFC];
	_ =	sdelay $0x3  }
0x94: {  	_ =	strace s3  }
0x95: {  	s3 =	sld [smem:$0x3FFD];
	_ =	sdelay $0x3  }
0x96: {  	_ =	strace s3  }
0x97: {  	_ =	strace $0x8FFFFFFF  }
0x98: {  	s19 =	sld [smem:$0x3FDB];
	_ =	sdelay $0x1  }
0x99: {  	s4 =	simm.s32 $_scs_section_size  }
0x9a: {  	s5 =	simm.s32 $_size__tile_overlayer_lowered;
	s6 =	simm.s32 $_tile_overlayer_lowered  }
0x9b: {  	s22 =	simm.s32 $0x1BFF;
	s21 =	sshll.u32 s6, $0x1;
	s3 =	sadd.s32 s4, s19  }
0x9c: {  	s7 =	simm.s32 $0x0;
	s20 =	sshll.u32 s5, $0x1;
	s5 =	sadd.s32 s21, s3  }
0x9d: {  	[timem:s7], [sflag:s22] =	dma.local [hbm:s5], s20  }
0x9e: {  	_ =	swait.ge [sflag:s22], s20  }
0x9f: {  	s4 =	ssub.s32 $0x0, s20;
	[sflag:s22] =	ssyncset.done $0x0  }
0xa0: {  	[sflag:s22] =	ssyncadd.s32 s4;
	_ =	sdelay $0x1  }
0xa1: {  	s23 =	simm.s32 $0x1B8B  }
0xa2: {  	_ =	swait.ge [sflag:s23], $0x1  }
0xa3: {  	[sflag:s23] =	ssyncset.done $0x0  }
0xa4: {  	s25 =	simm.s32 $0x1B8E;
	s24 =	sld [smem:$0x3FFE];
	[sflag:s23] =	ssyncadd.s32 $0xFFFFFFFF  }
0xa5: {  	s26 =	simm.s32 $execute0_lowered;
	[smem:$0x3FD2] =	sst s25  }
0xa6: {  	s5 =	sshll.u32 s26, $0x1;
	_ =	strace $0x80000049;
	[dreg:$0x1] =	wrdreg $0xFFFFFFFF  }
0xa7: {  	s28 =	simm.s32 $_size_execute0_lowered;
	s3 =	sadd.s32 s3, s5;
	[dreg:$0x0] =	wrdreg $0x0  }
0xa8: {  	s5 =	sshll.u32 s28, $0x1;
	[dreg:$0x2] =	wrdreg s3  }
0xa9: {  	[dreg:$0x3] =	wrdreg s5  }
0xaa: {  	[dreg:$0x4] =	wrdreg $0xC0  }
0xab: {  	_ =	task [dreg:s7], $0x5FFFF  }
0xac: {  	[dreg:$0x1] =	wrdreg $0xFFFFFFFF  }
0xad: {  	[dreg:$0x0] =	wrdreg $0x60  }
0xae: {  	[dreg:$0x2] =	wrdreg s24  }
0xaf: {  	[dreg:$0x3] =	wrdreg s2  }
0xb0: {  	[dreg:$0x4] =	wrdreg $0x9  }
0xb1: {  	_ =	task.clear_ibuf [dreg:s7], $0x5FFFF;
	_ =	strace $0x90000049  }
0xb2: {  	s29 =	simm.s32 $0x9;
	_ =	strace $0x8000004B  }
0xb3: {  	_ =	swait.ge [sflag:s29], $0x1  }
0xb4: {  	[sflag:s29] =	ssyncadd.s32 $0xFFFFFFFF  }
0xb5: {  	_ =	strace $0x9000004B  }
0xb6: {  	_ =	sfence  }
0xb7: {  	s30 =	sld [smem:$0x0];
	_ =	sdelay $0x2  }
0xb8: {  	s31 =	sshll.u32 s1, $0xD;
	s1 =	sshrl.u32 s1, $0x2  }
0xb9: {  	s3 =	sand.u32 $0x4000, s31;
	s1 =	sadd.s32 s1, s30  }
0xba: {  	s0 =	sor.u32 s3, s0;
	s1 =	sshll.u32 s1, $0x11  }
0xbb: {  	s0 =	sor.u32 s1, s0  }
0xbc: {  	s0 =	sadd.s32 $0x8F2B, s0  }
0xbd: {  	[sflag:s0] =	ssyncadd.remote.s32 $0x1  }
0xbe: {  	_ =	sfence.sel $0xFFFF  }
0xbf: {  	[dreg:$0x0] =	wrdreg $0xFFFFFFFF;
	(pc) =	sbr.abs _section_cstart, $3  }
0xc0: {  	[dreg:$0x1] =	wrdreg $0xFFFFFFFF  }
0xc1: {  	_ =	task.clear_ibuf [dreg:s7], $0x2FFFF;
	_ =	strace $0x9FFFFFFF  }
0xc2: {  	(tm) =	ssettm $0x7FFFFFFF  }
0xc3: {  	_ =	shalt  }
tec
execute0_lowered:
.L_overlay_start_1:
0x0: {  	(tag) =	ssettag $0x1  }
0x1: {  	s1 =	srdreg.scid;
	s4 =	rddreg [dreg:$0x0]  }
0x2: {  	s0 =	stileid.u32;
	s5 =	rddreg [dreg:$0x1];
	s18 =	simm.s32 $0x880  }
0x3: {  	s19 =	simm.s32 $0x1080;
	s20 =	simm.s32 $0x1880;
	s21 =	simm.s32 $0x2080  }
0x4: {  	s23 =	simm.s32 $0x2880;
	s24 =	simm.s32 $0x3080;
	s25 =	simm.s32 $0x3880  }
0x5: {  	s26 =	simm.s32 $0x4080;
	s7 =	simm.s32 $0x80;
	s9 =	simm.s32 $0x5080  }
0x6: {  	s10 =	simm.s32 $0x5880;
	s11 =	simm.s32 $0x6080;
	s1 =	sand.u32 $0x1, s1  }
0x7: {  	s12 =	simm.s32 $0x6880;
	s2 =	sshll.u32 s0, $0x8;
	s3 =	sshll.u32 s1, $0x7  }
0x8: {  	s13 =	simm.s32 $0x7080;
	s3 =	sor.u32 s3, s2;
	s2 =	simm.s32 $0x0  }
0x9: {  	s14 =	simm.s32 $0x7880;
	s15 =	simm.s32 $0x8080;
	[smem:$0x7FF] =	sst s2  }
0xa: {  	s16 =	simm.s32 $0x8880;
	_ =	strace $0x8000004A;
	[dreg:$0x5] =	wrdreg s18  }
0xb: {  	s17 =	simm.s32 $0x9080;
	s28 =	simm.s32 $0xE080;
	[dreg:$0x6] =	wrdreg s19  }
0xc: {  	s29 =	simm.s32 $0xE880;
	s30 =	simm.s32 $0xF080;
	[dreg:$0x7] =	wrdreg s20  }
0xd: {  	s31 =	simm.s32 $0xF880;
	s1 =	ssub.s32 $0x2, s1;
	[dreg:$0x8] =	wrdreg s21  }
0xe: {  	s22 =	sshrl.u32 s1, $0x1;
	s6 =	sshrl.u32 s3, $0x3;
	[dreg:$0x9] =	wrdreg s23  }
0xf: {  	s3 =	sshll.u32 s3, $0x6;
	s1 =	ssub.s32 s1, s22;
	[dreg:$0xa] =	wrdreg s24  }
0x10: {  	s22 =	simm.s32 $0xB880;
	s6 =	sadd.s32 s6, s4;
	[dreg:$0xb] =	wrdreg s25  }
0x11: {  	s3 =	sadd.s32 s5, s3;
	s5 =	smax.u32 s1, $0x1;
	[dreg:$0xc] =	wrdreg s26  }
0x12: {  	s18 =	simm.s32 $0x9880;
	s19 =	simm.s32 $0xA080;
	s20 =	simm.s32 $0xA880  }
0x13: {  	s21 =	simm.s32 $0xB080;
	s23 =	simm.s32 $0xC080;
	s24 =	simm.s32 $0xC880  }
0x14: {  	v2 =	vlaneseq.u32;
	s25 =	simm.s32 $0xD080;
	s26 =	simm.s32 $0xD880;
	s1 =	simm.s32 $0x1  }
0x15: {  	vm0 =	vmmov $0xffff;
	v1 =	vshrl.u32 v2, $0x3;
	s6 =	sadd.s32 $0x1E00, s6;
	[dreg:$0x4] =	wrdreg s3;
	s3 =	sadd.s32 $0x2000, s4  }
0x16: {  	v0 =	vand.u32 $0x7, v2;
	v2 =	vor.u32 $0x8, v2;
	v1 =	vmul.u32 $0x8, v1;
	s4 =	sadd.s32 $0x2100, s4;
	[dreg:$0x3] =	wrdreg s6;
	s6 =	simm.s32 $0x2  }
.LBB2_1:
0x17: {  	s0 =	rddreg [dreg:$0x3]  }
0x18: {  	[tilespmem:s2], [sflag:$0x2] =	stream.linear.gather [hbm4b:s0+s2], $0x80, $0x38;
	[tilespmem:$0x10080] =	vst v63  }
0x19: {  	_ =	swait.ge [sflag:s6], $0x80  }
0x1a: {  	[sflag:s6] =	ssyncset.done $0x0  }
0x1b: {  	[sflag:s6] =	ssyncadd.s32 $0xFFFFFF80  }
0x1c: {  	v3 =	vld [tilespmem:$0x0];
	_ =	sdelay $0x4  }
0x1d: {  	v4 =	vshll.u32 v3, $0x2  }
0x1e: {  	v3 =	vand.u32 $0x7, v3;
	v4 =	vand.u32 $0xFFFFFFE0, v4  }
0x1f: {  	v3 =	vor.u32 v3, v4  }
0x20: {  	v4 =	vperm.xlane v3, v0;
	_ =	sdelay $0x1  }
0x21: {  	v4 =	vadd.s32 v1, v4;
	_ =	sdelay $0x1  }
0x22: {  	v3 =	vperm.xlane v3, v2;
	_ =	sdelay $0x1  }
0x23: {  	v3 =	vadd.s32 v1, v3  }
0x24: {  	[tilespmem:s7], [sflag:$0x1] =	stream.indirect_vreg.gather [hbm4b:s3+s2], $0x80, v4, vm0, $0xb8;
	[tilespmem:$0x10080] =	vst v63  }
0x25: {  	s0 =	rddreg [dreg:$0x5]  }
0x26: {  	[tilespmem:s0], [sflag:$0x1] =	stream.indirect_vreg.gather [hbm4b:s4+s2], $0x80, v4, vm0, $0xb8;
	[tilespmem:$0x10080] =	vst v63  }
0x27: {  	s8 =	rddreg [dreg:$0x6]  }
0x28: {  	[tilespmem:s8], [sflag:$0x1] =	stream.indirect_vreg.gather [hbm4b:s3+s2], $0x80, v3, vm0, $0xb8;
	[tilespmem:$0x10080] =	vst v63  }
0x29: {  	s0 =	rddreg [dreg:$0x7]  }
0x2a: {  	[tilespmem:s0], [sflag:$0x1] =	stream.indirect_vreg.gather [hbm4b:s4+s2], $0x80, v3, vm0, $0xb8;
	[tilespmem:$0x10080] =	vst v63  }
0x2b: {  	v3 =	vld [tilespmem:$0x10];
	_ =	sdelay $0x4  }
0x2c: {  	v57 =	vshll.u32 v3, $0x2  }
0x2d: {  	v3 =	vand.u32 $0x7, v3;
	v4 =	vand.u32 $0xFFFFFFE0, v57  }
0x2e: {  	v3 =	vor.u32 v3, v4  }
0x2f: {  	v4 =	vperm.xlane v3, v0;
	_ =	sdelay $0x1  }
0x30: {  	v4 =	vadd.s32 v1, v4;
	_ =	sdelay $0x1  }
0x31: {  	v3 =	vperm.xlane v3, v2;
	_ =	sdelay $0x1  }
0x32: {  	s0 =	rddreg [dreg:$0x8];
	v3 =	vadd.s32 v1, v3  }
0x33: {  	[tilespmem:s0], [sflag:$0x1] =	stream.indirect_vreg.gather [hbm4b:s3+s2], $0x80, v4, vm0, $0xb8;
	[tilespmem:$0x10080] =	vst v63  }
0x34: {  	s8 =	rddreg [dreg:$0x9]  }
0x35: {  	[tilespmem:s8], [sflag:$0x1] =	stream.indirect_vreg.gather [hbm4b:s4+s2], $0x80, v4, vm0, $0xb8;
	[tilespmem:$0x10080] =	vst v63  }
0x36: {  	s0 =	rddreg [dreg:$0xa]  }
0x37: {  	[tilespmem:s0], [sflag:$0x1] =	stream.indirect_vreg.gather [hbm4b:s3+s2], $0x80, v3, vm0, $0xb8;
	[tilespmem:$0x10080] =	vst v63  }
0x38: {  	s8 =	rddreg [dreg:$0xb]  }
0x39: {  	[tilespmem:s8], [sflag:$0x1] =	stream.indirect_vreg.gather [hbm4b:s4+s2], $0x80, v3, vm0, $0xb8;
	[tilespmem:$0x10080] =	vst v63  }
0x3a: {  	v3 =	vld [tilespmem:$0x20];
	_ =	sdelay $0x4  }
0x3b: {  	v58 =	vshll.u32 v3, $0x2  }
0x3c: {  	v3 =	vand.u32 $0x7, v3;
	v4 =	vand.u32 $0xFFFFFFE0, v58  }
0x3d: {  	v3 =	vor.u32 v3, v4  }
0x3e: {  	v4 =	vperm.xlane v3, v0;
	_ =	sdelay $0x1  }
0x3f: {  	v4 =	vadd.s32 v1, v4;
	_ =	sdelay $0x1  }
0x40: {  	v3 =	vperm.xlane v3, v2;
	_ =	sdelay $0x1  }
0x41: {  	s8 =	rddreg [dreg:$0xc];
	v3 =	vadd.s32 v1, v3  }
0x42: {  	[tilespmem:s8], [sflag:$0x1] =	stream.indirect_vreg.gather [hbm4b:s3+s2], $0x80, v4, vm0, $0xb8;
	[tilespmem:$0x10080] =	vst v63  }
0x43: {  	s8 =	simm.s32 $0x4880  }
0x44: {  	[tilespmem:s8], [sflag:$0x1] =	stream.indirect_vreg.gather [hbm4b:s4+s2], $0x80, v4, vm0, $0xb8;
	[tilespmem:$0x10080] =	vst v63  }
0x45: {  	_ = 	snop  }
0x46: {  	[tilespmem:s9], [sflag:$0x1] =	stream.indirect_vreg.gather [hbm4b:s3+s2], $0x80, v3, vm0, $0xb8;
	[tilespmem:$0x10080] =	vst v63  }
0x47: {  	_ = 	snop  }
0x48: {  	[tilespmem:s10], [sflag:$0x1] =	stream.indirect_vreg.gather [hbm4b:s4+s2], $0x80, v3, vm0, $0xb8;
	[tilespmem:$0x10080] =	vst v63  }
0x49: {  	v3 =	vld [tilespmem:$0x30];
	_ =	sdelay $0x4  }
0x4a: {  	v59 =	vshll.u32 v3, $0x2  }
0x4b: {  	v3 =	vand.u32 $0x7, v3;
	v4 =	vand.u32 $0xFFFFFFE0, v59  }
0x4c: {  	v3 =	vor.u32 v3, v4  }
0x4d: {  	v4 =	vperm.xlane v3, v0;
	_ =	sdelay $0x1  }
0x4e: {  	v4 =	vadd.s32 v1, v4;
	_ =	sdelay $0x1  }
0x4f: {  	v3 =	vperm.xlane v3, v2;
	_ =	sdelay $0x1  }
0x50: {  	v3 =	vadd.s32 v1, v3  }
0x51: {  	[tilespmem:s11], [sflag:$0x1] =	stream.indirect_vreg.gather [hbm4b:s3+s2], $0x80, v4, vm0, $0xb8;
	[tilespmem:$0x10080] =	vst v63  }
0x52: {  	_ = 	snop  }
0x53: {  	[tilespmem:s12], [sflag:$0x1] =	stream.indirect_vreg.gather [hbm4b:s4+s2], $0x80, v4, vm0, $0xb8;
	[tilespmem:$0x10080] =	vst v63  }
0x54: {  	_ = 	snop  }
0x55: {  	[tilespmem:s13], [sflag:$0x1] =	stream.indirect_vreg.gather [hbm4b:s3+s2], $0x80, v3, vm0, $0xb8;
	[tilespmem:$0x10080] =	vst v63  }
0x56: {  	_ = 	snop  }
0x57: {  	[tilespmem:s14], [sflag:$0x1] =	stream.indirect_vreg.gather [hbm4b:s4+s2], $0x80, v3, vm0, $0xb8;
	[tilespmem:$0x10080] =	vst v63  }
0x58: {  	v3 =	vld [tilespmem:$0x40];
	_ =	sdelay $0x4  }
0x59: {  	v60 =	vshll.u32 v3, $0x2  }
0x5a: {  	v3 =	vand.u32 $0x7, v3;
	v4 =	vand.u32 $0xFFFFFFE0, v60  }
0x5b: {  	v3 =	vor.u32 v3, v4  }
0x5c: {  	v4 =	vperm.xlane v3, v0;
	_ =	sdelay $0x1  }
0x5d: {  	v4 =	vadd.s32 v1, v4;
	_ =	sdelay $0x1  }
0x5e: {  	v3 =	vperm.xlane v3, v2;
	_ =	sdelay $0x1  }
0x5f: {  	v3 =	vadd.s32 v1, v3  }
0x60: {  	[tilespmem:s15], [sflag:$0x1] =	stream.indirect_vreg.gather [hbm4b:s3+s2], $0x80, v4, vm0, $0xb8;
	[tilespmem:$0x10080] =	vst v63  }
0x61: {  	_ = 	snop  }
0x62: {  	[tilespmem:s16], [sflag:$0x1] =	stream.indirect_vreg.gather [hbm4b:s4+s2], $0x80, v4, vm0, $0xb8;
	[tilespmem:$0x10080] =	vst v63  }
0x63: {  	_ = 	snop  }
0x64: {  	[tilespmem:s17], [sflag:$0x1] =	stream.indirect_vreg.gather [hbm4b:s3+s2], $0x80, v3, vm0, $0xb8;
	[tilespmem:$0x10080] =	vst v63  }
0x65: {  	_ = 	snop  }
0x66: {  	[tilespmem:s18], [sflag:$0x1] =	stream.indirect_vreg.gather [hbm4b:s4+s2], $0x80, v3, vm0, $0xb8;
	[tilespmem:$0x10080] =	vst v63  }
0x67: {  	v3 =	vld [tilespmem:$0x50];
	_ =	sdelay $0x4  }
0x68: {  	v61 =	vshll.u32 v3, $0x2  }
0x69: {  	v3 =	vand.u32 $0x7, v3;
	v4 =	vand.u32 $0xFFFFFFE0, v61  }
0x6a: {  	v3 =	vor.u32 v3, v4  }
0x6b: {  	v4 =	vperm.xlane v3, v0;
	_ =	sdelay $0x1  }
0x6c: {  	v4 =	vadd.s32 v1, v4;
	_ =	sdelay $0x1  }
0x6d: {  	v3 =	vperm.xlane v3, v2;
	_ =	sdelay $0x1  }
0x6e: {  	v3 =	vadd.s32 v1, v3  }
0x6f: {  	[tilespmem:s19], [sflag:$0x1] =	stream.indirect_vreg.gather [hbm4b:s3+s2], $0x80, v4, vm0, $0xb8;
	[tilespmem:$0x10080] =	vst v63  }
0x70: {  	_ = 	snop  }
0x71: {  	[tilespmem:s20], [sflag:$0x1] =	stream.indirect_vreg.gather [hbm4b:s4+s2], $0x80, v4, vm0, $0xb8;
	[tilespmem:$0x10080] =	vst v63  }
0x72: {  	_ = 	snop  }
0x73: {  	[tilespmem:s21], [sflag:$0x1] =	stream.indirect_vreg.gather [hbm4b:s3+s2], $0x80, v3, vm0, $0xb8;
	[tilespmem:$0x10080] =	vst v63  }
0x74: {  	_ = 	snop  }
0x75: {  	[tilespmem:s22], [sflag:$0x1] =	stream.indirect_vreg.gather [hbm4b:s4+s2], $0x80, v3, vm0, $0xb8;
	[tilespmem:$0x10080] =	vst v63  }
0x76: {  	v3 =	vld [tilespmem:$0x60];
	_ =	sdelay $0x4  }
0x77: {  	v62 =	vshll.u32 v3, $0x2  }
0x78: {  	v3 =	vand.u32 $0x7, v3;
	v4 =	vand.u32 $0xFFFFFFE0, v62  }
0x79: {  	v3 =	vor.u32 v3, v4  }
0x7a: {  	v4 =	vperm.xlane v3, v0;
	_ =	sdelay $0x1  }
0x7b: {  	v4 =	vadd.s32 v1, v4;
	_ =	sdelay $0x1  }
0x7c: {  	v3 =	vperm.xlane v3, v2;
	_ =	sdelay $0x1  }
0x7d: {  	v3 =	vadd.s32 v1, v3  }
0x7e: {  	[tilespmem:s23], [sflag:$0x1] =	stream.indirect_vreg.gather [hbm4b:s3+s2], $0x80, v4, vm0, $0xb8;
	[tilespmem:$0x10080] =	vst v63  }
0x7f: {  	_ = 	snop  }
0x80: {  	[tilespmem:s24], [sflag:$0x1] =	stream.indirect_vreg.gather [hbm4b:s4+s2], $0x80, v4, vm0, $0xb8;
	[tilespmem:$0x10080] =	vst v63  }
0x81: {  	_ = 	snop  }
0x82: {  	[tilespmem:s25], [sflag:$0x1] =	stream.indirect_vreg.gather [hbm4b:s3+s2], $0x80, v3, vm0, $0xb8;
	[tilespmem:$0x10080] =	vst v63  }
0x83: {  	_ = 	snop  }
0x84: {  	[tilespmem:s26], [sflag:$0x1] =	stream.indirect_vreg.gather [hbm4b:s4+s2], $0x80, v3, vm0, $0xb8;
	[tilespmem:$0x10080] =	vst v63  }
0x85: {  	v3 =	vld [tilespmem:$0x70];
	_ =	sdelay $0x4  }
0x86: {  	v63 =	vshll.u32 v3, $0x2  }
0x87: {  	v3 =	vand.u32 $0x7, v3;
	v4 =	vand.u32 $0xFFFFFFE0, v63  }
0x88: {  	v3 =	vor.u32 v3, v4  }
0x89: {  	v4 =	vperm.xlane v3, v0;
	_ =	sdelay $0x1  }
0x8a: {  	v4 =	vadd.s32 v1, v4;
	_ =	sdelay $0x1  }
0x8b: {  	v3 =	vperm.xlane v3, v2;
	_ =	sdelay $0x1  }
0x8c: {  	v3 =	vadd.s32 v1, v3  }
0x8d: {  	[tilespmem:s28], [sflag:$0x1] =	stream.indirect_vreg.gather [hbm4b:s3+s2], $0x80, v4, vm0, $0xb8;
	[tilespmem:$0x10080] =	vst v63  }
0x8e: {  	_ = 	snop  }
0x8f: {  	[tilespmem:s29], [sflag:$0x1] =	stream.indirect_vreg.gather [hbm4b:s4+s2], $0x80, v4, vm0, $0xb8;
	[tilespmem:$0x10080] =	vst v63  }
0x90: {  	_ = 	snop  }
0x91: {  	[tilespmem:s30], [sflag:$0x1] =	stream.indirect_vreg.gather [hbm4b:s3+s2], $0x80, v3, vm0, $0xb8;
	[tilespmem:$0x10080] =	vst v63  }
0x92: {  	_ = 	snop  }
0x93: {  	[tilespmem:s31], [sflag:$0x1] =	stream.indirect_vreg.gather [hbm4b:s4+s2], $0x80, v3, vm0, $0xb8;
	[tilespmem:$0x10080] =	vst v63  }
0x94: {  	_ =	swait.ge [sflag:s1], $0x10000  }
0x95: {  	p0 =	sne.s32 s5, $0x1;
	[sflag:s1] =	ssyncset.done $0x0  }
.Ltmp0:
0x96: {  	s8 =	rddreg [dreg:$0x4];
	[sflag:s1] =	ssyncadd.s32 $0xFFFF0000;
	(pc) =	sbr.rel @p0 .LBB2_1-.Ltmp0, $4  }
0x97: {  	[hbm4b:s8+s2] =	stream.linear.scatter [tilespmem:s7], [sflag:$0x2], $0x10000, $0x38;
	[tilespmem:$0x10080] =	vst v63  }
0x98: {  	_ =	swait.ge [sflag:s6], $0x10000  }
0x99: {  	[sflag:s6] =	ssyncset.done $0x0  }
0x9a: {  	s5 =	sadd.s32 $0xFFFFFFFF, s5;
	[sflag:s6] =	ssyncadd.s32 $0xFFFF0000  }
0x9b: {  	_ =	sfence.sel $0x180000  }
0x9c: {  	[bflag:$0x0] =	sbarrier.arrive $0xFFFF  }
0x9d: {  	_ =	strace $0x9000004A  }
0x9e: {  	s0 =	stileid.u32;
	[bflag:$0x2] =	sbarrier.arrive $0xFFFF  }
0x9f: {  	p0 =	sne.s32 s0, $0x0;
	s0 =	rddreg [dreg:$0x2]  }
0xa0: {  	s0 =	sadd.s32 @!p0 $0x100000, s0  }
0xa1: {  	[sflag:s0] =	ssyncadd.tile.s32 @!p0 $0x1;
	_ =	shalt  }
.Lfunc_end2:
_tile_overlayer_lowered:
.L_overlay_start_2:
0xa2: {  	(tag) =	ssettag $0x2  }
0xa3: {  	s0 =	rddreg [dreg:$0x0];
	s2 =	stileid.u32  }
0xa4: {  	s1 =	rddreg [dreg:$0x1];
	p0 =	sne.s32 s2, $0x0  }
0xa5: {  	s3 =	rddreg [dreg:$0x2];
	[bflag:$0x3] =	sbarrier.arrive $0xFFFF;
	s2 =	simm.s32 @!p0 $0x1C02  }
0xa6: {  	[timem:s3], [sflag:s2] =	dma.local @!p0 [hbm:s0], s1  }
0xa7: {  	s0 =	simm.s32 @!p0 $0x2  }
0xa8: {  	_ =	swait.ge @!p0 [sflag:s0], s1  }
0xa9: {  	s1 =	ssub.s32 @!p0 $0x0, s1;
	[sflag:s0] =	ssyncset.done @!p0 $0x0  }
0xaa: {  	[sflag:s0] =	ssyncadd.s32 @!p0 s1  }
0xab: {  	[bflag:$0x3] =	sbarrier.arrive $0xFFFF  }
0xac: {  	_ =	shalt  }

// kernel: kernel.7.cloned.1.call-start
scs
__scs_entry_jumppad:
0x0: {  	(pc) =	sbr.rel $0x88, $3  }
0x1: {  	(tag) =	ssettag $0x0;
	lr =	simm.s32 $0x1  }
0x2: {  	[smem:$0x3F9B] =	sst lr;
	_ =	strace $0xD0000000  }
0x3: {  	_ = 	snop  }
0x4: {  	_ = 	snop  }
0x5: {  	_ = 	snop  }
0x6: {  	_ = 	snop  }
0x7: {  	_ = 	snop  }
__scs_overlays_trampoline_lowered:
0x8: {  	[smem:$0x3FAA] =	sst s0  }
0x9: {  	[smem:$0x3FAB] =	sst s1  }
0xa: {  	[smem:$0x3FAC] =	sst s2  }
0xb: {  	[smem:$0x3FAD] =	sst s3  }
0xc: {  	[smem:$0x3FAE] =	sst s4  }
0xd: {  	[smem:$0x3FAF] =	sst s5  }
0xe: {  	[smem:$0x3FB0] =	sst s6  }
0xf: {  	[smem:$0x3FB1] =	sst s7  }
0x10: {  	[smem:$0x3FB2] =	sst s8  }
0x11: {  	[smem:$0x3FB3] =	sst s9;
	s0 =	simm.s32 @!p0 $0x0  }
0x12: {  	s1 =	sld [smem:$0x3F99];
	s0 =	simm.s32 @p0 $0x1  }
0x13: {  	[smem:$0x3FB4] =	sst s0;
	s0 =	simm.s32 @!p1 $0x0  }
0x14: {  	s2 =	sld [smem:$0x3F98];
	s0 =	simm.s32 @p1 $0x1  }
0x15: {  	[smem:$0x3FB5] =	sst s0;
	s0 =	simm.s32 @!p2 $0x0  }
0x16: {  	s3 =	sld [smem:$0x3FDB];
	s0 =	simm.s32 @p2 $0x1  }
0x17: {  	s4 =	simm.s32 $0x1BF5;
	[smem:$0x3FB7] =	sst s0  }
0x18: {  	s0 =	sld [smem:$0x3F9A];
	_ =	swait.ge [sflag:s4], $0x0  }
0x19: {  	s7 =	sld [smem:$0x3F9B]  }
0x1a: {  	s8 =	sadd.s32 $0xFFFFE003, lr  }
0x1b: {  	s9 =	sadd.s32 $0xFFFFFEF7, lr;
	s5 =	simm.s32 $0xFFFFFFFF;
	p2 =	slt.u32 s8, $0xFFFFF086  }
0x1c: {  	p1 =	slt.u32 s9, $0xF7A;
	s5 =	simm.s32 @!p2 $0x0  }
0x1d: {  	s5 =	simm.s32 @p1 $0x1;
	p0 =	seq.s32 s7, s2  }
0x1e: {  	s7 =	smul.u32 @!p0 $0xF7A, s2;
	p2 =	seq.s32 @!p0 s5, $0x0  }
0x1f: {  	s9 =	smul.u32 $0xF7A, s1;
	s8 =	simm.s32 @!p0 $0x1BF5;
	p2 =	por !p2, p0  }
0x20: {  	[sflag:s8] =	ssyncset.s32 @!p0 $0xFFFFF086;
	s6 =	sadd.s32 @!p0 s3, s7;
	s7 =	simm.s32 @!p0 $0x108  }
0x21: {  	s3 =	sadd.s32 s3, s9;
	s6 =	sadd.s32 @!p0 $0x88, s6;
	s7 =	simm.s32 @p2 $0x1082  }
0x22: {  	[simem:s7], [sflag:s8] =	dma.local @!p0 [hbm:s6], $0xF7A  }
0x23: {  	s9 =	sor.u32 $0xD0000000, s2;
	s6 =	simm.s32 $0x108;
	_ =	swait.ge @!p0 [sflag:s8], $0x0  }
0x24: {  	s3 =	sadd.s32 $0x88, s3;
	s6 =	simm.s32 @!p1 $0x1082;
	[sflag:s4] =	ssyncset.s32 $0xFFFFF086  }
0x25: {  	[simem:s6], [sflag:s4] =	dma.local [hbm:s3], $0xF7A  }
0x26: {  	[smem:$0x3F9B] =	sst s1;
	(tag) =	ssettag s2;
	_ =	strace s9  }
0x27: {  	s1 =	sld [smem:$0x3FAB]  }
0x28: {  	s2 =	sld [smem:$0x3FAC]  }
0x29: {  	s4 =	sld [smem:$0x3FAE]  }
0x2a: {  	p0 =	seq.s32 s5, $0x0;
	s5 =	sld [smem:$0x3FAF]  }
0x2b: {  	s6 =	sld [smem:$0x3FB0]  }
0x2c: {  	s7 =	sld [smem:$0x3FB1]  }
0x2d: {  	s3 =	simm.s32 $0x108;
	s8 =	sld [smem:$0x3FB2]  }
0x2e: {  	s3 =	simm.s32 @!p0 $0x1082;
	s9 =	sld [smem:$0x3FB3]  }
0x2f: {  	lr =	sadd.s32 s0, s3;
	s0 =	sld [smem:$0x3FAA]  }
0x30: {  	s3 =	sld [smem:$0x3FAD]  }
0x31: {  	[smem:$0x3FB6] =	sst s10  }
0x32: {  	s10 =	sld [smem:$0x3FB4];
	_ =	sdelay $0x3  }
0x33: {  	p0 =	seq.s32 s10, $0x1;
	s10 =	sld [smem:$0x3FB6];
	_ =	sdelay $0x3  }
0x34: {  	[smem:$0x3FB6] =	sst s10  }
0x35: {  	s10 =	sld [smem:$0x3FB5];
	_ =	sdelay $0x3  }
0x36: {  	p1 =	seq.s32 s10, $0x1;
	s10 =	sld [smem:$0x3FB6];
	_ =	sdelay $0x3  }
0x37: {  	[smem:$0x3FB6] =	sst s10  }
0x38: {  	s10 =	sld [smem:$0x3FB7]  }
0x39: {  	_ = 	snop;
	(pc) =	sbr.ind lr, $3  }
0x3a: {  	_ = 	snop  }
0x3b: {  	_ = 	snop  }
0x3c: {  	p2 =	seq.s32 s10, $0x1;
	s10 =	sld [smem:$0x3FB6]  }
0x3d: {  	_ =	shalt  }
0x3e: {  	_ =	shalt  }
0x3f: {  	_ =	shalt  }
0x40: {  	_ =	shalt  }
0x41: {  	_ =	shalt  }
0x42: {  	_ =	shalt  }
0x43: {  	_ =	shalt  }
0x44: {  	_ =	shalt  }
0x45: {  	_ =	shalt  }
0x46: {  	_ =	shalt  }
0x47: {  	_ =	shalt  }
0x48: {  	_ =	shalt  }
0x49: {  	_ =	shalt  }
0x4a: {  	_ =	shalt  }
0x4b: {  	_ =	shalt  }
0x4c: {  	_ =	shalt  }
0x4d: {  	_ =	shalt  }
0x4e: {  	_ =	shalt  }
0x4f: {  	_ =	shalt  }
0x50: {  	_ =	shalt  }
0x51: {  	_ =	shalt  }
0x52: {  	_ =	shalt  }
0x53: {  	_ =	shalt  }
0x54: {  	_ =	shalt  }
0x55: {  	_ =	shalt  }
0x56: {  	_ =	shalt  }
0x57: {  	_ =	shalt  }
0x58: {  	_ =	shalt  }
0x59: {  	_ =	shalt  }
0x5a: {  	_ =	shalt  }
0x5b: {  	_ =	shalt  }
0x5c: {  	_ =	shalt  }
0x5d: {  	_ =	shalt  }
0x5e: {  	_ =	shalt  }
0x5f: {  	_ =	shalt  }
0x60: {  	_ =	shalt  }
0x61: {  	_ =	shalt  }
0x62: {  	_ =	shalt  }
0x63: {  	_ =	shalt  }
0x64: {  	_ =	shalt  }
0x65: {  	_ =	shalt  }
0x66: {  	_ =	shalt  }
0x67: {  	_ =	shalt  }
0x68: {  	_ =	shalt  }
0x69: {  	_ =	shalt  }
0x6a: {  	_ =	shalt  }
0x6b: {  	_ =	shalt  }
0x6c: {  	_ =	shalt  }
0x6d: {  	_ =	shalt  }
0x6e: {  	_ =	shalt  }
0x6f: {  	_ =	shalt  }
0x70: {  	_ =	shalt  }
0x71: {  	_ =	shalt  }
0x72: {  	_ =	shalt  }
0x73: {  	_ =	shalt  }
0x74: {  	_ =	shalt  }
0x75: {  	_ =	shalt  }
0x76: {  	_ =	shalt  }
0x77: {  	_ =	shalt  }
0x78: {  	_ =	shalt  }
0x79: {  	_ =	shalt  }
0x7a: {  	_ =	shalt  }
0x7b: {  	_ =	shalt  }
0x7c: {  	_ =	shalt  }
0x7d: {  	_ =	shalt  }
0x7e: {  	_ =	shalt  }
0x7f: {  	_ =	shalt  }
0x80: {  	_ =	shalt  }
0x81: {  	_ =	shalt  }
0x82: {  	_ =	shalt  }
0x83: {  	_ =	shalt  }
0x84: {  	_ =	shalt  }
0x85: {  	_ =	shalt  }
0x86: {  	_ =	shalt  }
0x87: {  	_ =	shalt  }
.Lfunc_end0:
.L_simem_size_0:
called_computation_lowered:
.L_overlay_start_0:
0x88: {  	s2 =	sld [smem:$0x3FD9]  }
0x89: {  	s3 =	sld [smem:$0x3FFE];
	_ =	sdelay $0x1  }
0x8a: {  	s1 =	srdreg.scid  }
0x8b: {  	s0 =	sand.u32 $0x1, s1  }
0x8c: {  	s17 =	sshll.u32 s0, $0xA;
	s2 =	sadd.s32 s3, s2  }
0x8d: {  	s2 =	sadd.s32 s2, s17  }
0x8e: {  	[smem:$0x3FC2] =	sst s2  }
0x8f: {  	_ = 	snop  }
0x90: {  	s2 =	sld [smem:$0x3FD0];
	(tm) =	ssettm $0x1  }
0x91: {  	s18 =	sld [smem:$0x3FFB];
	_ =	sdelay $0x3  }
0x92: {  	_ =	strace s18  }
0x93: {  	s3 =	sld [smem:$0x3FFC];
	_ =	sdelay $0x3  }
0x94: {  	_ =	strace s3  }
0x95: {  	s3 =	sld [smem:$0x3FFD];
	_ =	sdelay $0x3  }
0x96: {  	_ =	strace s3  }
0x97: {  	_ =	strace $0x8FFFFFFF  }
0x98: {  	s19 =	sld [smem:$0x3FDB];
	_ =	sdelay $0x1  }
0x99: {  	s4 =	simm.s32 $_scs_section_size  }
0x9a: {  	s5 =	simm.s32 $_size__tile_overlayer_lowered;
	s6 =	simm.s32 $_tile_overlayer_lowered  }
0x9b: {  	s22 =	simm.s32 $0x1BFF;
	s21 =	sshll.u32 s6, $0x1;
	s3 =	sadd.s32 s4, s19  }
0x9c: {  	s7 =	simm.s32 $0x0;
	s20 =	sshll.u32 s5, $0x1;
	s5 =	sadd.s32 s21, s3  }
0x9d: {  	[timem:s7], [sflag:s22] =	dma.local [hbm:s5], s20  }
0x9e: {  	_ =	swait.ge [sflag:s22], s20  }
0x9f: {  	s4 =	ssub.s32 $0x0, s20;
	[sflag:s22] =	ssyncset.done $0x0  }
0xa0: {  	[sflag:s22] =	ssyncadd.s32 s4;
	_ =	sdelay $0x1  }
0xa1: {  	s23 =	simm.s32 $0x1B8B  }
0xa2: {  	_ =	swait.ge [sflag:s23], $0x1  }
0xa3: {  	[sflag:s23] =	ssyncset.done $0x0  }
0xa4: {  	s25 =	simm.s32 $0x1B8E;
	s24 =	sld [smem:$0x3FFE];
	[sflag:s23] =	ssyncadd.s32 $0xFFFFFFFF  }
0xa5: {  	s26 =	simm.s32 $execute0_lowered;
	[smem:$0x3FD2] =	sst s25  }
0xa6: {  	s5 =	sshll.u32 s26, $0x1;
	_ =	strace $0x80000046;
	[dreg:$0x1] =	wrdreg $0xFFFFFFFF  }
0xa7: {  	s28 =	simm.s32 $_size_execute0_lowered;
	s3 =	sadd.s32 s3, s5;
	[dreg:$0x0] =	wrdreg $0x0  }
0xa8: {  	s5 =	sshll.u32 s28, $0x1;
	[dreg:$0x2] =	wrdreg s3  }
0xa9: {  	[dreg:$0x3] =	wrdreg s5  }
0xaa: {  	[dreg:$0x4] =	wrdreg $0xC0  }
0xab: {  	_ =	task [dreg:s7], $0x5FFFF  }
0xac: {  	[dreg:$0x1] =	wrdreg $0xFFFFFFFF  }
0xad: {  	[dreg:$0x0] =	wrdreg $0x60  }
0xae: {  	[dreg:$0x2] =	wrdreg s24  }
0xaf: {  	[dreg:$0x3] =	wrdreg s2  }
0xb0: {  	[dreg:$0x4] =	wrdreg $0x9  }
0xb1: {  	_ =	task.clear_ibuf [dreg:s7], $0x5FFFF;
	_ =	strace $0x90000046  }
0xb2: {  	s29 =	simm.s32 $0x9;
	_ =	strace $0x80000048  }
0xb3: {  	_ =	swait.ge [sflag:s29], $0x1  }
0xb4: {  	[sflag:s29] =	ssyncadd.s32 $0xFFFFFFFF  }
0xb5: {  	_ =	strace $0x90000048  }
0xb6: {  	_ =	sfence  }
0xb7: {  	s30 =	sld [smem:$0x0];
	_ =	sdelay $0x2  }
0xb8: {  	s31 =	sshll.u32 s1, $0xD;
	s1 =	sshrl.u32 s1, $0x2  }
0xb9: {  	s3 =	sand.u32 $0x4000, s31;
	s1 =	sadd.s32 s1, s30  }
0xba: {  	s0 =	sor.u32 s3, s0;
	s1 =	sshll.u32 s1, $0x11  }
0xbb: {  	s0 =	sor.u32 s1, s0  }
0xbc: {  	s0 =	sadd.s32 $0x8F2B, s0  }
0xbd: {  	[sflag:s0] =	ssyncadd.remote.s32 $0x1  }
0xbe: {  	_ =	sfence.sel $0xFFFF  }
0xbf: {  	[dreg:$0x0] =	wrdreg $0xFFFFFFFF;
	(pc) =	sbr.abs _section_cstart, $3  }
0xc0: {  	[dreg:$0x1] =	wrdreg $0xFFFFFFFF  }
0xc1: {  	_ =	task.clear_ibuf [dreg:s7], $0x2FFFF;
	_ =	strace $0x9FFFFFFF  }
0xc2: {  	(tm) =	ssettm $0x7FFFFFFF  }
0xc3: {  	_ =	shalt  }
tec
execute0_lowered:
.L_overlay_start_1:
0x0: {  	(tag) =	ssettag $0x1  }
0x1: {  	s0 =	srdreg.scid;
	s1 =	rddreg [dreg:$0x0]  }
0x2: {  	s3 =	stileid.u32;
	s2 =	rddreg [dreg:$0x1]  }
0x3: {  	s26 =	simm.s32 $0x80;
	s17 =	simm.s32 $0x1;
	s20 =	simm.s32 $0x1100  }
0x4: {  	s21 =	simm.s32 $0x1900;
	s22 =	simm.s32 $0x2100;
	s23 =	simm.s32 $0x2900  }
0x5: {  	s28 =	simm.s32 $0x4900;
	s29 =	simm.s32 $0x5100;
	s30 =	simm.s32 $0x5900  }
0x6: {  	s31 =	simm.s32 $0x6100;
	s9 =	simm.s32 $0x7900;
	s10 =	simm.s32 $0x8100  }
0x7: {  	s11 =	simm.s32 $0x8900;
	s12 =	simm.s32 $0x9100;
	s13 =	simm.s32 $0x9900  }
0x8: {  	s14 =	simm.s32 $0xA100;
	s15 =	simm.s32 $0xA900;
	s16 =	simm.s32 $0xB100  }
0x9: {  	s0 =	sand.u32 $0x1, s0;
	s4 =	sshll.u32 s3, $0x5;
	s3 =	simm.s32 $0x0  }
0xa: {  	s8 =	simm.s32 $0xB900;
	s5 =	sshll.u32 s0, $0x4;
	[smem:$0x7FF] =	sst s3  }
0xb: {  	s0 =	ssub.s32 $0x2, s0;
	s4 =	sor.u32 s5, s4;
	_ =	strace $0x80000047  }
0xc: {  	s6 =	sshrl.u32 s0, $0x1;
	s5 =	sadd.s32 $0x100, s2;
	[dreg:$0x5] =	wrdreg s26  }
0xd: {  	s26 =	simm.s32 $0x4100;
	s4 =	sadd.s32 s4, s1;
	s0 =	ssub.s32 s0, s6  }
0xe: {  	v2 =	vlaneseq.u32;
	s6 =	sadd.s32 $0x2100, s1;
	s24 =	sadd.s32 $0x1C00, s4;
	s25 =	sadd.s32 $0x1E00, s4  }
0xf: {  	vm0 =	vmmov $0xffff;
	v1 =	vshrl.u32 v2, $0x3;
	s4 =	sadd.s32 $0x2000, s1;
	s7 =	smax.u32 s0, $0x1;
	[dreg:$0x3] =	wrdreg s24  }
0x10: {  	v0 =	vand.u32 $0x7, v2;
	v2 =	vor.u32 $0x8, v2;
	v1 =	vmul.u32 $0x8, v1;
	[dreg:$0x4] =	wrdreg s25;
	s24 =	simm.s32 $0x3100;
	s25 =	simm.s32 $0x3900  }
.LBB2_1:
0x11: {  	s18 =	rddreg [dreg:$0x3];
	s0 =	simm.s32 $0x2  }
0x12: {  	[tilespmem:s3], [sflag:$0x2] =	stream.linear.gather [hbm4b:s18+s3], $0x80, $0x38;
	[tilespmem:$0x10100] =	vst v63  }
0x13: {  	_ =	swait.ge [sflag:s0], $0x80  }
0x14: {  	s1 =	rddreg [dreg:$0x4];
	[sflag:s0] =	ssyncset.done $0x0  }
0x15: {  	s19 =	rddreg [dreg:$0x5];
	[sflag:s0] =	ssyncadd.s32 $0xFFFFFF80  }
0x16: {  	[tilespmem:s19], [sflag:$0x2] =	stream.linear.gather [hbm4b:s1+s3], $0x80, $0x38;
	[tilespmem:$0x10100] =	vst v63  }
0x17: {  	_ =	swait.ge [sflag:s0], $0x80  }
0x18: {  	[sflag:s0] =	ssyncset.done $0x0  }
0x19: {  	[sflag:s0] =	ssyncadd.s32 $0xFFFFFF80  }
0x1a: {  	v3 =	vld [tilespmem:$0x0];
	_ =	sdelay $0x4  }
0x1b: {  	v4 =	vshll.u32 v3, $0x2  }
0x1c: {  	v3 =	vand.u32 $0x7, v3;
	v4 =	vand.u32 $0xFFFFFFE0, v4  }
0x1d: {  	v3 =	vor.u32 v3, v4  }
0x1e: {  	v4 =	vperm.xlane v3, v0;
	_ =	sdelay $0x1  }
0x1f: {  	v4 =	vadd.s32 v1, v4;
	_ =	sdelay $0x1  }
0x20: {  	v3 =	vperm.xlane v3, v2;
	_ =	sdelay $0x1  }
0x21: {  	s18 =	simm.s32 $0x100;
	v3 =	vadd.s32 v1, v3  }
0x22: {  	[tilespmem:s18], [sflag:$0x1] =	stream.indirect_vreg.gather [hbm4b:s2+s3], $0x80, v4, vm0, $0xb8;
	[tilespmem:$0x10100] =	vst v63  }
0x23: {  	s19 =	simm.s32 $0x900  }
0x24: {  	[tilespmem:s19], [sflag:$0x1] =	stream.indirect_vreg.gather [hbm4b:s5+s3], $0x80, v4, vm0, $0xb8;
	[tilespmem:$0x10100] =	vst v63  }
0x25: {  	_ = 	snop  }
0x26: {  	[tilespmem:s20], [sflag:$0x1] =	stream.indirect_vreg.gather [hbm4b:s2+s3], $0x80, v3, vm0, $0xb8;
	[tilespmem:$0x10100] =	vst v63  }
0x27: {  	_ = 	snop  }
0x28: {  	[tilespmem:s21], [sflag:$0x1] =	stream.indirect_vreg.gather [hbm4b:s5+s3], $0x80, v3, vm0, $0xb8;
	[tilespmem:$0x10100] =	vst v63  }
0x29: {  	v3 =	vld [tilespmem:$0x10];
	_ =	sdelay $0x4  }
0x2a: {  	v49 =	vshll.u32 v3, $0x2  }
0x2b: {  	v3 =	vand.u32 $0x7, v3;
	v4 =	vand.u32 $0xFFFFFFE0, v49  }
0x2c: {  	v3 =	vor.u32 v3, v4  }
0x2d: {  	v4 =	vperm.xlane v3, v0;
	_ =	sdelay $0x1  }
0x2e: {  	v4 =	vadd.s32 v1, v4;
	_ =	sdelay $0x1  }
0x2f: {  	v3 =	vperm.xlane v3, v2;
	_ =	sdelay $0x1  }
0x30: {  	v3 =	vadd.s32 v1, v3  }
0x31: {  	[tilespmem:s22], [sflag:$0x1] =	stream.indirect_vreg.gather [hbm4b:s2+s3], $0x80, v4, vm0, $0xb8;
	[tilespmem:$0x10100] =	vst v63  }
0x32: {  	_ = 	snop  }
0x33: {  	[tilespmem:s23], [sflag:$0x1] =	stream.indirect_vreg.gather [hbm4b:s5+s3], $0x80, v4, vm0, $0xb8;
	[tilespmem:$0x10100] =	vst v63  }
0x34: {  	_ = 	snop  }
0x35: {  	[tilespmem:s24], [sflag:$0x1] =	stream.indirect_vreg.gather [hbm4b:s2+s3], $0x80, v3, vm0, $0xb8;
	[tilespmem:$0x10100] =	vst v63  }
0x36: {  	_ = 	snop  }
0x37: {  	[tilespmem:s25], [sflag:$0x1] =	stream.indirect_vreg.gather [hbm4b:s5+s3], $0x80, v3, vm0, $0xb8;
	[tilespmem:$0x10100] =	vst v63  }
0x38: {  	v3 =	vld [tilespmem:$0x20];
	_ =	sdelay $0x4  }
0x39: {  	v50 =	vshll.u32 v3, $0x2  }
0x3a: {  	v3 =	vand.u32 $0x7, v3;
	v4 =	vand.u32 $0xFFFFFFE0, v50  }
0x3b: {  	v3 =	vor.u32 v3, v4  }
0x3c: {  	v4 =	vperm.xlane v3, v0;
	_ =	sdelay $0x1  }
0x3d: {  	v4 =	vadd.s32 v1, v4;
	_ =	sdelay $0x1  }
0x3e: {  	v3 =	vperm.xlane v3, v2;
	_ =	sdelay $0x1  }
0x3f: {  	v3 =	vadd.s32 v1, v3  }
0x40: {  	[tilespmem:s26], [sflag:$0x1] =	stream.indirect_vreg.gather [hbm4b:s2+s3], $0x80, v4, vm0, $0xb8;
	[tilespmem:$0x10100] =	vst v63  }
0x41: {  	_ = 	snop  }
0x42: {  	[tilespmem:s28], [sflag:$0x1] =	stream.indirect_vreg.gather [hbm4b:s5+s3], $0x80, v4, vm0, $0xb8;
	[tilespmem:$0x10100] =	vst v63  }
0x43: {  	_ = 	snop  }
0x44: {  	[tilespmem:s29], [sflag:$0x1] =	stream.indirect_vreg.gather [hbm4b:s2+s3], $0x80, v3, vm0, $0xb8;
	[tilespmem:$0x10100] =	vst v63  }
0x45: {  	_ = 	snop  }
0x46: {  	[tilespmem:s30], [sflag:$0x1] =	stream.indirect_vreg.gather [hbm4b:s5+s3], $0x80, v3, vm0, $0xb8;
	[tilespmem:$0x10100] =	vst v63  }
0x47: {  	v3 =	vld [tilespmem:$0x30];
	_ =	sdelay $0x4  }
0x48: {  	v51 =	vshll.u32 v3, $0x2  }
0x49: {  	v3 =	vand.u32 $0x7, v3;
	v4 =	vand.u32 $0xFFFFFFE0, v51  }
0x4a: {  	v3 =	vor.u32 v3, v4  }
0x4b: {  	v4 =	vperm.xlane v3, v0;
	_ =	sdelay $0x1  }
0x4c: {  	v4 =	vadd.s32 v1, v4;
	_ =	sdelay $0x1  }
0x4d: {  	v3 =	vperm.xlane v3, v2;
	_ =	sdelay $0x1  }
0x4e: {  	v3 =	vadd.s32 v1, v3  }
0x4f: {  	[tilespmem:s31], [sflag:$0x1] =	stream.indirect_vreg.gather [hbm4b:s2+s3], $0x80, v4, vm0, $0xb8;
	[tilespmem:$0x10100] =	vst v63  }
0x50: {  	s1 =	simm.s32 $0x6900  }
0x51: {  	[tilespmem:s1], [sflag:$0x1] =	stream.indirect_vreg.gather [hbm4b:s5+s3], $0x80, v4, vm0, $0xb8;
	[tilespmem:$0x10100] =	vst v63  }
0x52: {  	s0 =	simm.s32 $0x7100  }
0x53: {  	[tilespmem:s0], [sflag:$0x1] =	stream.indirect_vreg.gather [hbm4b:s2+s3], $0x80, v3, vm0, $0xb8;
	[tilespmem:$0x10100] =	vst v63  }
0x54: {  	_ = 	snop  }
0x55: {  	[tilespmem:s9], [sflag:$0x1] =	stream.indirect_vreg.gather [hbm4b:s5+s3], $0x80, v3, vm0, $0xb8;
	[tilespmem:$0x10100] =	vst v63  }
0x56: {  	v3 =	vld [tilespmem:$0x40];
	_ =	sdelay $0x4  }
0x57: {  	v52 =	vshll.u32 v3, $0x2  }
0x58: {  	v3 =	vand.u32 $0x7, v3;
	v4 =	vand.u32 $0xFFFFFFE0, v52  }
0x59: {  	v3 =	vor.u32 v3, v4  }
0x5a: {  	v4 =	vperm.xlane v3, v0;
	_ =	sdelay $0x1  }
0x5b: {  	v4 =	vadd.s32 v1, v4;
	_ =	sdelay $0x1  }
0x5c: {  	v3 =	vperm.xlane v3, v2;
	_ =	sdelay $0x1  }
0x5d: {  	v3 =	vadd.s32 v1, v3  }
0x5e: {  	[tilespmem:s10], [sflag:$0x1] =	stream.indirect_vreg.gather [hbm4b:s2+s3], $0x80, v4, vm0, $0xb8;
	[tilespmem:$0x10100] =	vst v63  }
0x5f: {  	_ = 	snop  }
0x60: {  	[tilespmem:s11], [sflag:$0x1] =	stream.indirect_vreg.gather [hbm4b:s5+s3], $0x80, v4, vm0, $0xb8;
	[tilespmem:$0x10100] =	vst v63  }
0x61: {  	_ = 	snop  }
0x62: {  	[tilespmem:s12], [sflag:$0x1] =	stream.indirect_vreg.gather [hbm4b:s2+s3], $0x80, v3, vm0, $0xb8;
	[tilespmem:$0x10100] =	vst v63  }
0x63: {  	_ = 	snop  }
0x64: {  	[tilespmem:s13], [sflag:$0x1] =	stream.indirect_vreg.gather [hbm4b:s5+s3], $0x80, v3, vm0, $0xb8;
	[tilespmem:$0x10100] =	vst v63  }
0x65: {  	v3 =	vld [tilespmem:$0x50];
	_ =	sdelay $0x4  }
0x66: {  	v53 =	vshll.u32 v3, $0x2  }
0x67: {  	v3 =	vand.u32 $0x7, v3;
	v4 =	vand.u32 $0xFFFFFFE0, v53  }
0x68: {  	v3 =	vor.u32 v3, v4  }
0x69: {  	v4 =	vperm.xlane v3, v0;
	_ =	sdelay $0x1  }
0x6a: {  	v4 =	vadd.s32 v1, v4;
	_ =	sdelay $0x1  }
0x6b: {  	v3 =	vperm.xlane v3, v2;
	_ =	sdelay $0x1  }
0x6c: {  	v3 =	vadd.s32 v1, v3  }
0x6d: {  	[tilespmem:s14], [sflag:$0x1] =	stream.indirect_vreg.gather [hbm4b:s2+s3], $0x80, v4, vm0, $0xb8;
	[tilespmem:$0x10100] =	vst v63  }
0x6e: {  	_ = 	snop  }
0x6f: {  	[tilespmem:s15], [sflag:$0x1] =	stream.indirect_vreg.gather [hbm4b:s5+s3], $0x80, v4, vm0, $0xb8;
	[tilespmem:$0x10100] =	vst v63  }
0x70: {  	_ = 	snop  }
0x71: {  	[tilespmem:s16], [sflag:$0x1] =	stream.indirect_vreg.gather [hbm4b:s2+s3], $0x80, v3, vm0, $0xb8;
	[tilespmem:$0x10100] =	vst v63  }
0x72: {  	_ = 	snop  }
0x73: {  	[tilespmem:s8], [sflag:$0x1] =	stream.indirect_vreg.gather [hbm4b:s5+s3], $0x80, v3, vm0, $0xb8;
	[tilespmem:$0x10100] =	vst v63  }
0x74: {  	v3 =	vld [tilespmem:$0x60];
	_ =	sdelay $0x4  }
0x75: {  	v54 =	vshll.u32 v3, $0x2  }
0x76: {  	v3 =	vand.u32 $0x7, v3;
	v4 =	vand.u32 $0xFFFFFFE0, v54  }
0x77: {  	v3 =	vor.u32 v3, v4  }
0x78: {  	v4 =	vperm.xlane v3, v0;
	_ =	sdelay $0x1  }
0x79: {  	v4 =	vadd.s32 v1, v4;
	_ =	sdelay $0x1  }
0x7a: {  	v3 =	vperm.xlane v3, v2;
	_ =	sdelay $0x1  }
0x7b: {  	s0 =	simm.s32 $0xC100;
	v3 =	vadd.s32 v1, v3  }
0x7c: {  	[tilespmem:s0], [sflag:$0x1] =	stream.indirect_vreg.gather [hbm4b:s2+s3], $0x80, v4, vm0, $0xb8;
	[tilespmem:$0x10100] =	vst v63  }
0x7d: {  	s0 =	simm.s32 $0xC900  }
0x7e: {  	[tilespmem:s0], [sflag:$0x1] =	stream.indirect_vreg.gather [hbm4b:s5+s3], $0x80, v4, vm0, $0xb8;
	[tilespmem:$0x10100] =	vst v63  }
0x7f: {  	s0 =	simm.s32 $0xD100  }
0x80: {  	[tilespmem:s0], [sflag:$0x1] =	stream.indirect_vreg.gather [hbm4b:s2+s3], $0x80, v3, vm0, $0xb8;
	[tilespmem:$0x10100] =	vst v63  }
0x81: {  	s0 =	simm.s32 $0xD900  }
0x82: {  	[tilespmem:s0], [sflag:$0x1] =	stream.indirect_vreg.gather [hbm4b:s5+s3], $0x80, v3, vm0, $0xb8;
	[tilespmem:$0x10100] =	vst v63  }
0x83: {  	v3 =	vld [tilespmem:$0x70];
	_ =	sdelay $0x4  }
0x84: {  	v55 =	vshll.u32 v3, $0x2  }
0x85: {  	v3 =	vand.u32 $0x7, v3;
	v4 =	vand.u32 $0xFFFFFFE0, v55  }
0x86: {  	v3 =	vor.u32 v3, v4  }
0x87: {  	v4 =	vperm.xlane v3, v0;
	_ =	sdelay $0x1  }
0x88: {  	v4 =	vadd.s32 v1, v4;
	_ =	sdelay $0x1  }
0x89: {  	v3 =	vperm.xlane v3, v2;
	_ =	sdelay $0x1  }
0x8a: {  	s0 =	simm.s32 $0xE100;
	v3 =	vadd.s32 v1, v3  }
0x8b: {  	[tilespmem:s0], [sflag:$0x1] =	stream.indirect_vreg.gather [hbm4b:s2+s3], $0x80, v4, vm0, $0xb8;
	[tilespmem:$0x10100] =	vst v63  }
0x8c: {  	s0 =	simm.s32 $0xE900  }
0x8d: {  	[tilespmem:s0], [sflag:$0x1] =	stream.indirect_vreg.gather [hbm4b:s5+s3], $0x80, v4, vm0, $0xb8;
	[tilespmem:$0x10100] =	vst v63  }
0x8e: {  	s0 =	simm.s32 $0xF100  }
0x8f: {  	[tilespmem:s0], [sflag:$0x1] =	stream.indirect_vreg.gather [hbm4b:s2+s3], $0x80, v3, vm0, $0xb8;
	[tilespmem:$0x10100] =	vst v63  }
0x90: {  	s0 =	simm.s32 $0xF900  }
0x91: {  	[tilespmem:s0], [sflag:$0x1] =	stream.indirect_vreg.gather [hbm4b:s5+s3], $0x80, v3, vm0, $0xb8;
	[tilespmem:$0x10100] =	vst v63  }
0x92: {  	_ =	swait.ge [sflag:s17], $0x10000  }
0x93: {  	[sflag:s17] =	ssyncset.done $0x0  }
0x94: {  	[sflag:s17] =	ssyncadd.s32 $0xFFFF0000  }
0x95: {  	v3 =	vld [tilespmem:$0x80];
	_ =	sdelay $0x4  }
0x96: {  	v56 =	vshll.u32 v3, $0x2  }
0x97: {  	v3 =	vand.u32 $0x7, v3;
	v4 =	vand.u32 $0xFFFFFFE0, v56  }
0x98: {  	v3 =	vor.u32 v3, v4  }
0x99: {  	v4 =	vperm.xlane v3, v0;
	_ =	sdelay $0x1  }
0x9a: {  	v4 =	vadd.s32 v1, v4;
	_ =	sdelay $0x1  }
0x9b: {  	v3 =	vperm.xlane v3, v2;
	_ =	sdelay $0x1  }
0x9c: {  	v3 =	vadd.s32 v1, v3  }
0x9d: {  	[hbm4b:s4+s3] =	stream.indirect_vreg.scatter [tilespmem:s18], [sflag:$0x1], $0x80, v4, vm0, $0xb8;
	[tilespmem:$0x10100] =	vst v63  }
0x9e: {  	_ = 	snop  }
0x9f: {  	[hbm4b:s6+s3] =	stream.indirect_vreg.scatter [tilespmem:s19], [sflag:$0x1], $0x80, v4, vm0, $0xb8;
	[tilespmem:$0x10100] =	vst v63  }
0xa0: {  	_ = 	snop  }
0xa1: {  	[hbm4b:s4+s3] =	stream.indirect_vreg.scatter [tilespmem:s20], [sflag:$0x1], $0x80, v3, vm0, $0xb8;
	[tilespmem:$0x10100] =	vst v63  }
0xa2: {  	_ = 	snop  }
0xa3: {  	[hbm4b:s6+s3] =	stream.indirect_vreg.scatter [tilespmem:s21], [sflag:$0x1], $0x80, v3, vm0, $0xb8;
	[tilespmem:$0x10100] =	vst v63  }
0xa4: {  	v3 =	vld [tilespmem:$0x90];
	_ =	sdelay $0x4  }
0xa5: {  	v57 =	vshll.u32 v3, $0x2  }
0xa6: {  	v3 =	vand.u32 $0x7, v3;
	v4 =	vand.u32 $0xFFFFFFE0, v57  }
0xa7: {  	v3 =	vor.u32 v3, v4  }
0xa8: {  	v4 =	vperm.xlane v3, v0;
	_ =	sdelay $0x1  }
0xa9: {  	v4 =	vadd.s32 v1, v4;
	_ =	sdelay $0x1  }
0xaa: {  	v3 =	vperm.xlane v3, v2;
	_ =	sdelay $0x1  }
0xab: {  	v3 =	vadd.s32 v1, v3  }
0xac: {  	[hbm4b:s4+s3] =	stream.indirect_vreg.scatter [tilespmem:s22], [sflag:$0x1], $0x80, v4, vm0, $0xb8;
	[tilespmem:$0x10100] =	vst v63  }
0xad: {  	_ = 	snop  }
0xae: {  	[hbm4b:s6+s3] =	stream.indirect_vreg.scatter [tilespmem:s23], [sflag:$0x1], $0x80, v4, vm0, $0xb8;
	[tilespmem:$0x10100] =	vst v63  }
0xaf: {  	_ = 	snop  }
0xb0: {  	[hbm4b:s4+s3] =	stream.indirect_vreg.scatter [tilespmem:s24], [sflag:$0x1], $0x80, v3, vm0, $0xb8;
	[tilespmem:$0x10100] =	vst v63  }
0xb1: {  	_ = 	snop  }
0xb2: {  	[hbm4b:s6+s3] =	stream.indirect_vreg.scatter [tilespmem:s25], [sflag:$0x1], $0x80, v3, vm0, $0xb8;
	[tilespmem:$0x10100] =	vst v63  }
0xb3: {  	v3 =	vld [tilespmem:$0xA0];
	_ =	sdelay $0x4  }
0xb4: {  	v58 =	vshll.u32 v3, $0x2  }
0xb5: {  	v3 =	vand.u32 $0x7, v3;
	v4 =	vand.u32 $0xFFFFFFE0, v58  }
0xb6: {  	v3 =	vor.u32 v3, v4  }
0xb7: {  	v4 =	vperm.xlane v3, v0;
	_ =	sdelay $0x1  }
0xb8: {  	v4 =	vadd.s32 v1, v4;
	_ =	sdelay $0x1  }
0xb9: {  	v3 =	vperm.xlane v3, v2;
	_ =	sdelay $0x1  }
0xba: {  	v3 =	vadd.s32 v1, v3  }
0xbb: {  	[hbm4b:s4+s3] =	stream.indirect_vreg.scatter [tilespmem:s26], [sflag:$0x1], $0x80, v4, vm0, $0xb8;
	[tilespmem:$0x10100] =	vst v63  }
0xbc: {  	_ = 	snop  }
0xbd: {  	[hbm4b:s6+s3] =	stream.indirect_vreg.scatter [tilespmem:s28], [sflag:$0x1], $0x80, v4, vm0, $0xb8;
	[tilespmem:$0x10100] =	vst v63  }
0xbe: {  	_ = 	snop  }
0xbf: {  	[hbm4b:s4+s3] =	stream.indirect_vreg.scatter [tilespmem:s29], [sflag:$0x1], $0x80, v3, vm0, $0xb8;
	[tilespmem:$0x10100] =	vst v63  }
0xc0: {  	_ = 	snop  }
0xc1: {  	[hbm4b:s6+s3] =	stream.indirect_vreg.scatter [tilespmem:s30], [sflag:$0x1], $0x80, v3, vm0, $0xb8;
	[tilespmem:$0x10100] =	vst v63  }
0xc2: {  	v3 =	vld [tilespmem:$0xB0];
	_ =	sdelay $0x4  }
0xc3: {  	v59 =	vshll.u32 v3, $0x2  }
0xc4: {  	v3 =	vand.u32 $0x7, v3;
	v4 =	vand.u32 $0xFFFFFFE0, v59  }
0xc5: {  	v3 =	vor.u32 v3, v4  }
0xc6: {  	v4 =	vperm.xlane v3, v0;
	_ =	sdelay $0x1  }
0xc7: {  	v4 =	vadd.s32 v1, v4;
	_ =	sdelay $0x1  }
0xc8: {  	v3 =	vperm.xlane v3, v2;
	_ =	sdelay $0x1  }
0xc9: {  	v3 =	vadd.s32 v1, v3  }
0xca: {  	[hbm4b:s4+s3] =	stream.indirect_vreg.scatter [tilespmem:s31], [sflag:$0x1], $0x80, v4, vm0, $0xb8;
	[tilespmem:$0x10100] =	vst v63  }
0xcb: {  	_ = 	snop  }
0xcc: {  	[hbm4b:s6+s3] =	stream.indirect_vreg.scatter [tilespmem:s1], [sflag:$0x1], $0x80, v4, vm0, $0xb8;
	[tilespmem:$0x10100] =	vst v63  }
0xcd: {  	s18 =	simm.s32 $0x7100  }
0xce: {  	[hbm4b:s4+s3] =	stream.indirect_vreg.scatter [tilespmem:s18], [sflag:$0x1], $0x80, v3, vm0, $0xb8;
	[tilespmem:$0x10100] =	vst v63  }
0xcf: {  	_ = 	snop  }
0xd0: {  	[hbm4b:s6+s3] =	stream.indirect_vreg.scatter [tilespmem:s9], [sflag:$0x1], $0x80, v3, vm0, $0xb8;
	[tilespmem:$0x10100] =	vst v63  }
0xd1: {  	v3 =	vld [tilespmem:$0xC0];
	_ =	sdelay $0x4  }
0xd2: {  	v60 =	vshll.u32 v3, $0x2  }
0xd3: {  	v3 =	vand.u32 $0x7, v3;
	v4 =	vand.u32 $0xFFFFFFE0, v60  }
0xd4: {  	v3 =	vor.u32 v3, v4  }
0xd5: {  	v4 =	vperm.xlane v3, v0;
	_ =	sdelay $0x1  }
0xd6: {  	v4 =	vadd.s32 v1, v4;
	_ =	sdelay $0x1  }
0xd7: {  	v3 =	vperm.xlane v3, v2;
	_ =	sdelay $0x1  }
0xd8: {  	v3 =	vadd.s32 v1, v3  }
0xd9: {  	[hbm4b:s4+s3] =	stream.indirect_vreg.scatter [tilespmem:s10], [sflag:$0x1], $0x80, v4, vm0, $0xb8;
	[tilespmem:$0x10100] =	vst v63  }
0xda: {  	_ = 	snop  }
0xdb: {  	[hbm4b:s6+s3] =	stream.indirect_vreg.scatter [tilespmem:s11], [sflag:$0x1], $0x80, v4, vm0, $0xb8;
	[tilespmem:$0x10100] =	vst v63  }
0xdc: {  	_ = 	snop  }
0xdd: {  	[hbm4b:s4+s3] =	stream.indirect_vreg.scatter [tilespmem:s12], [sflag:$0x1], $0x80, v3, vm0, $0xb8;
	[tilespmem:$0x10100] =	vst v63  }
0xde: {  	_ = 	snop  }
0xdf: {  	[hbm4b:s6+s3] =	stream.indirect_vreg.scatter [tilespmem:s13], [sflag:$0x1], $0x80, v3, vm0, $0xb8;
	[tilespmem:$0x10100] =	vst v63  }
0xe0: {  	v3 =	vld [tilespmem:$0xD0];
	_ =	sdelay $0x4  }
0xe1: {  	v61 =	vshll.u32 v3, $0x2  }
0xe2: {  	v3 =	vand.u32 $0x7, v3;
	v4 =	vand.u32 $0xFFFFFFE0, v61  }
0xe3: {  	v3 =	vor.u32 v3, v4  }
0xe4: {  	v4 =	vperm.xlane v3, v0;
	_ =	sdelay $0x1  }
0xe5: {  	v4 =	vadd.s32 v1, v4;
	_ =	sdelay $0x1  }
0xe6: {  	v3 =	vperm.xlane v3, v2;
	_ =	sdelay $0x1  }
0xe7: {  	v3 =	vadd.s32 v1, v3  }
0xe8: {  	[hbm4b:s4+s3] =	stream.indirect_vreg.scatter [tilespmem:s14], [sflag:$0x1], $0x80, v4, vm0, $0xb8;
	[tilespmem:$0x10100] =	vst v63  }
0xe9: {  	_ = 	snop  }
0xea: {  	[hbm4b:s6+s3] =	stream.indirect_vreg.scatter [tilespmem:s15], [sflag:$0x1], $0x80, v4, vm0, $0xb8;
	[tilespmem:$0x10100] =	vst v63  }
0xeb: {  	_ = 	snop  }
0xec: {  	[hbm4b:s4+s3] =	stream.indirect_vreg.scatter [tilespmem:s16], [sflag:$0x1], $0x80, v3, vm0, $0xb8;
	[tilespmem:$0x10100] =	vst v63  }
0xed: {  	_ = 	snop  }
0xee: {  	[hbm4b:s6+s3] =	stream.indirect_vreg.scatter [tilespmem:s8], [sflag:$0x1], $0x80, v3, vm0, $0xb8;
	[tilespmem:$0x10100] =	vst v63  }
0xef: {  	v3 =	vld [tilespmem:$0xE0];
	_ =	sdelay $0x4  }
0xf0: {  	v62 =	vshll.u32 v3, $0x2  }
0xf1: {  	v3 =	vand.u32 $0x7, v3;
	v4 =	vand.u32 $0xFFFFFFE0, v62  }
0xf2: {  	v3 =	vor.u32 v3, v4  }
0xf3: {  	v4 =	vperm.xlane v3, v0;
	_ =	sdelay $0x1  }
0xf4: {  	v4 =	vadd.s32 v1, v4;
	_ =	sdelay $0x1  }
0xf5: {  	v3 =	vperm.xlane v3, v2;
	_ =	sdelay $0x1  }
0xf6: {  	s19 =	simm.s32 $0xC100;
	v3 =	vadd.s32 v1, v3  }
0xf7: {  	[hbm4b:s4+s3] =	stream.indirect_vreg.scatter [tilespmem:s19], [sflag:$0x1], $0x80, v4, vm0, $0xb8;
	[tilespmem:$0x10100] =	vst v63  }
0xf8: {  	s18 =	simm.s32 $0xC900  }
0xf9: {  	[hbm4b:s6+s3] =	stream.indirect_vreg.scatter [tilespmem:s18], [sflag:$0x1], $0x80, v4, vm0, $0xb8;
	[tilespmem:$0x10100] =	vst v63  }
0xfa: {  	s19 =	simm.s32 $0xD100  }
0xfb: {  	[hbm4b:s4+s3] =	stream.indirect_vreg.scatter [tilespmem:s19], [sflag:$0x1], $0x80, v3, vm0, $0xb8;
	[tilespmem:$0x10100] =	vst v63  }
0xfc: {  	s18 =	simm.s32 $0xD900  }
0xfd: {  	[hbm4b:s6+s3] =	stream.indirect_vreg.scatter [tilespmem:s18], [sflag:$0x1], $0x80, v3, vm0, $0xb8;
	[tilespmem:$0x10100] =	vst v63  }
0xfe: {  	v3 =	vld [tilespmem:$0xF0];
	_ =	sdelay $0x4  }
0xff: {  	v63 =	vshll.u32 v3, $0x2  }
0x100: {  	v3 =	vand.u32 $0x7, v3;
	v4 =	vand.u32 $0xFFFFFFE0, v63  }
0x101: {  	v3 =	vor.u32 v3, v4  }
0x102: {  	v4 =	vperm.xlane v3, v0;
	_ =	sdelay $0x1  }
0x103: {  	v4 =	vadd.s32 v1, v4;
	_ =	sdelay $0x1  }
0x104: {  	v3 =	vperm.xlane v3, v2;
	_ =	sdelay $0x1  }
0x105: {  	s19 =	simm.s32 $0xE100;
	v3 =	vadd.s32 v1, v3  }
0x106: {  	[hbm4b:s4+s3] =	stream.indirect_vreg.scatter [tilespmem:s19], [sflag:$0x1], $0x80, v4, vm0, $0xb8;
	[tilespmem:$0x10100] =	vst v63  }
0x107: {  	s18 =	simm.s32 $0xE900  }
0x108: {  	[hbm4b:s6+s3] =	stream.indirect_vreg.scatter [tilespmem:s18], [sflag:$0x1], $0x80, v4, vm0, $0xb8;
	[tilespmem:$0x10100] =	vst v63  }
0x109: {  	p0 =	sne.s32 s7, $0x1;
	s19 =	simm.s32 $0xF100  }
0x10a: {  	[hbm4b:s4+s3] =	stream.indirect_vreg.scatter [tilespmem:s19], [sflag:$0x1], $0x80, v3, vm0, $0xb8;
	[tilespmem:$0x10100] =	vst v63  }
.Ltmp0:
0x10b: {  	_ = 	snop;
	(pc) =	sbr.rel @p0 .LBB2_1-.Ltmp0, $4  }
0x10c: {  	[hbm4b:s6+s3] =	stream.indirect_vreg.scatter [tilespmem:s0], [sflag:$0x1], $0x80, v3, vm0, $0xb8;
	[tilespmem:$0x10100] =	vst v63  }
0x10d: {  	_ =	swait.ge [sflag:s17], $0x10000  }
0x10e: {  	[sflag:s17] =	ssyncset.done $0x0  }
0x10f: {  	s7 =	sadd.s32 $0xFFFFFFFF, s7;
	[sflag:s17] =	ssyncadd.s32 $0xFFFF0000  }
0x110: {  	_ =	sfence.sel $0x180000  }
0x111: {  	[bflag:$0x0] =	sbarrier.arrive $0xFFFF  }
0x112: {  	_ =	strace $0x90000047  }
0x113: {  	s0 =	stileid.u32;
	[bflag:$0x2] =	sbarrier.arrive $0xFFFF  }
0x114: {  	p0 =	sne.s32 s0, $0x0;
	s0 =	rddreg [dreg:$0x2]  }
0x115: {  	s0 =	sadd.s32 @!p0 $0x100000, s0  }
0x116: {  	[sflag:s0] =	ssyncadd.tile.s32 @!p0 $0x1;
	_ =	shalt  }
.Lfunc_end2:
_tile_overlayer_lowered:
.L_overlay_start_2:
0x117: {  	(tag) =	ssettag $0x2  }
0x118: {  	s0 =	rddreg [dreg:$0x0];
	s2 =	stileid.u32  }
0x119: {  	s1 =	rddreg [dreg:$0x1];
	p0 =	sne.s32 s2, $0x0  }
0x11a: {  	s3 =	rddreg [dreg:$0x2];
	[bflag:$0x3] =	sbarrier.arrive $0xFFFF;
	s2 =	simm.s32 @!p0 $0x1C02  }
0x11b: {  	[timem:s3], [sflag:s2] =	dma.local @!p0 [hbm:s0], s1  }
0x11c: {  	s0 =	simm.s32 @!p0 $0x2  }
0x11d: {  	_ =	swait.ge @!p0 [sflag:s0], s1  }
0x11e: {  	s1 =	ssub.s32 @!p0 $0x0, s1;
	[sflag:s0] =	ssyncset.done @!p0 $0x0  }
0x11f: {  	[sflag:s0] =	ssyncadd.s32 @!p0 s1  }
0x120: {  	[bflag:$0x3] =	sbarrier.arrive $0xFFFF  }
0x121: {  	_ =	shalt  }

</sc_bundles>
